<compile_context>
chip_gen: v7x
topology: tpu7x:2x2x1
jax: 0.10.2.dev20260603
libtpu: 0.0.44.dev20260713+nightly
codegen_flags: <defaults>
</compile_context>

<pallas_src>
import functools

import jax
import jax.numpy as jnp
from jax import lax
from jax.experimental import pallas as pl
from jax.experimental.pallas import tpu as pltpu
from jax.experimental.pallas import tpu_sc as plsc

_B, _S, _H = 4, 8192, 1024
_G1 = 512
_N = _B * _G1
_NC, _NS, _L = 2, 16, 16
_NW = _NC * _NS
_PER_W = _N // _NW
_NCHUNK = _PER_W // _L
_HC = _H // _L


def _sc_gap_head(seq_flat, idx3, w_flat, bias):
    mesh = plsc.VectorSubcoreMesh(core_axis_name="c", subcore_axis_name="s")

    @functools.partial(
        pl.kernel,
        mesh=mesh,
        out_type=jax.ShapeDtypeStruct((_N,), jnp.float32),
        scratch_types=[
            pltpu.VMEM((_NCHUNK, _L), jnp.int32),
            pltpu.VMEM((_NCHUNK, _L, _H), jnp.float32),
            pltpu.VMEM((_H,), jnp.float32),
            pltpu.VMEM((_L,), jnp.float32),
            pltpu.VMEM((_PER_W,), jnp.float32),
            pltpu.SemaphoreType.DMA,
            pltpu.SemaphoreType.DMA,
            pltpu.SemaphoreType.DMA,
            pltpu.SemaphoreType.DMA,
        ],
    )
    def k(seq_hbm, idx_hbm, w_hbm, b_hbm, out_hbm, idx_v, rows_v, w_v, b_v,
          out_v, sem0, sem1, sem2, sem3):
        sems = (sem0, sem1, sem2, sem3)
        wid = lax.axis_index("s") * _NC + lax.axis_index("c")
        base = wid * _PER_W
        pltpu.sync_copy(idx_hbm.at[wid], idx_v)
        copies = [
            pltpu.async_copy(seq_hbm.at[idx_v.at[c]], rows_v.at[c], sems[c])
            for c in range(_NCHUNK)
        ]
        pltpu.sync_copy(w_hbm, w_v)
        pltpu.sync_copy(b_hbm, b_v)
        b_vec = b_v[...]
        lanes = lax.iota(jnp.int32, _L)
        dnums = lax.GatherDimensionNumbers(
            offset_dims=(), collapsed_slice_dims=(0,), start_index_map=(0,))

        def lane_perm(v, idx):
            return lax.gather(v, idx[:, None], dnums, (1,),
                              mode=lax.GatherScatterMode.PROMISE_IN_BOUNDS)

        perm_idx = {s: lanes ^ s for s in (8, 4, 2, 1)}
        low_mask = {s: (lanes & s) == 0 for s in (8, 4, 2, 1)}

        def red(v, s):
            return v + lane_perm(v, perm_idx[s])

        for c in range(_NCHUNK):
            copies[c].wait()

            def slice_body(j, accs):
                o = j * _L
                w = w_v[pl.ds(o, _L)]
                return tuple(
                    accs[r] + rows_v[c, r, pl.ds(o, _L)] * w
                    for r in range(_L)
                )

            accs = lax.fori_loop(
                0, _HC, slice_body,
                tuple(jnp.zeros((_L,), jnp.float32) for _ in range(_L)))

            vecs = list(accs)
            for s in (8, 4, 2, 1):
                half = len(vecs) // 2
                vecs = [
                    jnp.where(low_mask[s], red(vecs[i], s),
                              red(vecs[i + half], s))
                    for i in range(half)
                ]
            out_v[pl.ds(c * _L, _L)] = vecs[0] + b_vec

        pltpu.sync_copy(out_v, out_hbm.at[pl.ds(base, _PER_W)])

    return k(seq_flat, idx3, w_flat, bias)


def kernel(sequence_output, gap_ids, W, b):
    B, S, H = sequence_output.shape
    zeros_col = jnp.zeros((B, 1), dtype=gap_ids.dtype)
    gap_ids_full = jnp.concatenate([zeros_col, gap_ids], axis=1)
    flat_idx = (gap_ids_full
                + (jnp.arange(B, dtype=gap_ids.dtype) * S)[:, None])
    idx3 = flat_idx.reshape(_NW, _NCHUNK, _L)
    seq_flat = sequence_output.reshape(B * S, H)
    bias_splat = jnp.full((_L,), b[0], dtype=jnp.float32)
    scores = _sc_gap_head(seq_flat, idx3, W.reshape(H), bias_splat)
    return scores.reshape(B, _G1)

# --- scband reference (transcript-rebuilt; emitter-appended) ---
"""Pipeline reference for scband-gt-head-51170240365084 (READ-ONLY COPY).

The authoritative reference and input builder live on the scoring server;
editing this copy changes nothing except your own understanding.
"""

import jax, jax.numpy as jnp
import numpy as np


def setup_inputs(seed: int = 0) -> dict:
    key = jax.random.key(seed)
    k1, k2, k3, k4 = jax.random.split(key, 4)
    B, S, H = 4, 8192, 1024
    G = 511
    sequence_output = jax.random.normal(k1, (B, S, H), dtype=jnp.float32)
    gap_ids = jax.random.randint(k2, (B, G), 0, S, dtype=jnp.int32)
    # nn.Linear(hidden_size, 1): weight [1, H], bias [1]
    W = jax.random.normal(k3, (1, H), dtype=jnp.float32) * (1.0 / np.sqrt(H))
    b = jax.random.normal(k4, (1,), dtype=jnp.float32) * 0.01
    return {"sequence_output": sequence_output, "gap_ids": gap_ids, "W": W, "b": b}


def reference(sequence_output, gap_ids, W, b):
    B, S, H = sequence_output.shape
    index_batch = jnp.arange(B)[:, None]  # [B, 1]
    zeros_col = jnp.zeros((B, 1), dtype=gap_ids.dtype)
    gap_ids_full = jnp.concatenate([zeros_col, gap_ids], axis=1)  # [B, G+1]
    # advanced-indexing gather: [B, G+1, H]
    gaps = sequence_output[index_batch, gap_ids_full]
    # Linear(H, 1) then squeeze(-1)
    gap_scores = (gaps @ W.T + b).squeeze(-1)  # [B, G+1]
    return gap_scores

if __name__ == "__main__":
    import jax
    _d = setup_inputs()
    print(jax.jit(kernel)(*tuple(_d.values())))

</pallas_src>

<mosaic_0001>
#map = affine_map<(d0, d1) -> (0, 0)>
#map1 = affine_map<(d0, d1) -> (0, 0, 0)>
#map2 = affine_map<(d0, d1) -> (0)>
module attributes {stable_mosaic.version = 14 : i64} {
  func.func @k(%arg0: i32, %arg1: i32, %arg2: memref<32768x1024xf32, #tpu.memory_space<hbm>>, %arg3: memref<32x4x16xi32, #tpu.memory_space<hbm>>, %arg4: memref<1024xf32, #tpu.memory_space<hbm>>, %arg5: memref<16xf32, #tpu.memory_space<hbm>>, %arg6: memref<2048xf32, #tpu.memory_space<hbm>>, %arg7: memref<4x16xi32, #tpu.memory_space<vmem>>, %arg8: memref<4x16x1024xf32, #tpu.memory_space<vmem>>, %arg9: memref<1024xf32, #tpu.memory_space<vmem>>, %arg10: memref<16xf32, #tpu.memory_space<vmem>>, %arg11: memref<64xf32, #tpu.memory_space<vmem>>, %arg12: memref<!tpu.dma_semaphore, #tpu.memory_space<semaphore_mem>>, %arg13: memref<!tpu.dma_semaphore, #tpu.memory_space<semaphore_mem>>, %arg14: memref<!tpu.dma_semaphore, #tpu.memory_space<semaphore_mem>>, %arg15: memref<!tpu.dma_semaphore, #tpu.memory_space<semaphore_mem>>) attributes {dimension_semantics = [#tpu.dimension_semantics<core_parallel>, #tpu.dimension_semantics<subcore_parallel>], iteration_bounds = array<i64: 2, 16>, scalar_prefetch = 0 : i64, scratch_operands = 9 : i64, tpu.core_type = #tpu.core_type<sc_vector_subcore>, window_params = [{transform_indices = #map}, {transform_indices = #map1}, {transform_indices = #map2}, {transform_indices = #map2}, {transform_indices = #map2}]} {
    %mul3A = arith.constant 2 : i32
    %mul3A_0 = arith.muli %arg1, %mul3A : i32
    %add3A = arith.addi %mul3A_0, %arg0 : i32
    %mul3A_1 = arith.constant 64 : i32
    %mul3A_2 = arith.muli %add3A, %mul3A_1 : i32
    "tpu.region"() ({
      %run_scoped3A = tpu.sem_alloc : memref<!tpu.dma_semaphore, #tpu.memory_space<semaphore_mem>>
      %dma_start3A_839 = arith.constant 0 : i32
      %dma_start3A_840 = arith.constant 0 : i32
      %dma_start3A_841 = tpu.memref_slice %arg3[%add3A, %dma_start3A_839, %dma_start3A_840] : memref<32x4x16xi32, #tpu.memory_space<hbm>> -> memref<1x4x16xi32, #tpu.memory_space<hbm>>
      %dma_start3A_842 = tpu.memref_squeeze %dma_start3A_841 : memref<1x4x16xi32, #tpu.memory_space<hbm>> -> memref<4x16xi32, #tpu.memory_space<hbm>>
      %dma_start3A_843 = arith.constant 0 : i32
      %dma_start3A_844 = arith.constant 0 : i32
      %dma_start3A_845 = tpu.memref_slice %arg3[%add3A, %dma_start3A_843, %dma_start3A_844] : memref<32x4x16xi32, #tpu.memory_space<hbm>> -> memref<1x4x16xi32, #tpu.memory_space<hbm>>
      %dma_start3A_846 = tpu.memref_squeeze %dma_start3A_845 : memref<1x4x16xi32, #tpu.memory_space<hbm>> -> memref<4x16xi32, #tpu.memory_space<hbm>>
      tpu.enqueue_dma source(%dma_start3A_846 : memref<4x16xi32, #tpu.memory_space<hbm>>) target(%arg7 : memref<4x16xi32, #tpu.memory_space<vmem>>) target_semaphore(%run_scoped3A : memref<!tpu.dma_semaphore, #tpu.memory_space<semaphore_mem>>)
      %dma_wait3A_847 = arith.constant 0 : i32
      %dma_wait3A_848 = arith.constant 0 : i32
      %dma_wait3A_849 = tpu.memref_slice %arg3[%add3A, %dma_wait3A_847, %dma_wait3A_848] : memref<32x4x16xi32, #tpu.memory_space<hbm>> -> memref<1x4x16xi32, #tpu.memory_space<hbm>>
      %dma_wait3A_850 = tpu.memref_squeeze %dma_wait3A_849 : memref<1x4x16xi32, #tpu.memory_space<hbm>> -> memref<4x16xi32, #tpu.memory_space<hbm>>
      %dma_wait3A_851 = arith.constant 0 : i32
      %dma_wait3A_852 = arith.constant 0 : i32
      %dma_wait3A_853 = tpu.memref_slice %arg3[%add3A, %dma_wait3A_851, %dma_wait3A_852] : memref<32x4x16xi32, #tpu.memory_space<hbm>> -> memref<1x4x16xi32, #tpu.memory_space<hbm>>
      %dma_wait3A_854 = tpu.memref_squeeze %dma_wait3A_853 : memref<1x4x16xi32, #tpu.memory_space<hbm>> -> memref<4x16xi32, #tpu.memory_space<hbm>>
      tpu.wait_dma2 semaphore(%run_scoped3A : memref<!tpu.dma_semaphore, #tpu.memory_space<semaphore_mem>>) src(%dma_wait3A_854 : memref<4x16xi32, #tpu.memory_space<hbm>>) dst(%arg7 : memref<4x16xi32, #tpu.memory_space<vmem>>)
      tpu.yield
    }) : () -> ()
    %dma_start3A = arith.constant 0 : i32
    %dma_start3A_3 = arith.constant 0 : i32
    %dma_start3A_4 = arith.constant 0 : i32
    %dma_start3A_5 = arith.constant 0 : i32
    %dma_start3A_6 = tpu.memref_slice %arg8[%dma_start3A_3, %dma_start3A_4, %dma_start3A_5] : memref<4x16x1024xf32, #tpu.memory_space<vmem>> -> memref<1x16x1024xf32, #tpu.memory_space<vmem>>
    %dma_start3A_7 = tpu.memref_squeeze %dma_start3A_6 : memref<1x16x1024xf32, #tpu.memory_space<vmem>> -> memref<16x1024xf32, #tpu.memory_space<vmem>>
    %dma_start3A_8 = arith.constant 0 : i32
    %dma_start3A_9 = tpu.memref_slice %arg7[%dma_start3A, %dma_start3A_8] : memref<4x16xi32, #tpu.memory_space<vmem>> -> memref<1x16xi32, #tpu.memory_space<vmem>>
    %dma_start3A_10 = tpu.memref_squeeze %dma_start3A_9 : memref<1x16xi32, #tpu.memory_space<vmem>> -> memref<16xi32, #tpu.memory_space<vmem>>
    %dma_start3A_11 = arith.constant 0 : i32
    %dma_start3A_12 = arith.constant 0 : i32
    %dma_start3A_13 = tpu.memref_slice %arg2[%dma_start3A_11, %dma_start3A_12] : memref<32768x1024xf32, #tpu.memory_space<hbm>> -> memref<32768x1024xf32, #tpu.memory_space<hbm>>
    tpu.enqueue_indirect_dma source(%dma_start3A_13 : memref<32768x1024xf32, #tpu.memory_space<hbm>>) target(%dma_start3A_7 : memref<16x1024xf32, #tpu.memory_space<vmem>>) offsets(%dma_start3A_10 : memref<16xi32, #tpu.memory_space<vmem>>) semaphore(%arg12 : memref<!tpu.dma_semaphore, #tpu.memory_space<semaphore_mem>>)
    %dma_start3A_14 = arith.constant 1 : i32
    %dma_start3A_15 = arith.constant 1 : i32
    %dma_start3A_16 = arith.constant 0 : i32
    %dma_start3A_17 = arith.constant 0 : i32
    %dma_start3A_18 = tpu.memref_slice %arg8[%dma_start3A_15, %dma_start3A_16, %dma_start3A_17] : memref<4x16x1024xf32, #tpu.memory_space<vmem>> -> memref<1x16x1024xf32, #tpu.memory_space<vmem>>
    %dma_start3A_19 = tpu.memref_squeeze %dma_start3A_18 : memref<1x16x1024xf32, #tpu.memory_space<vmem>> -> memref<16x1024xf32, #tpu.memory_space<vmem>>
    %dma_start3A_20 = arith.constant 0 : i32
    %dma_start3A_21 = tpu.memref_slice %arg7[%dma_start3A_14, %dma_start3A_20] : memref<4x16xi32, #tpu.memory_space<vmem>> -> memref<1x16xi32, #tpu.memory_space<vmem>>
    %dma_start3A_22 = tpu.memref_squeeze %dma_start3A_21 : memref<1x16xi32, #tpu.memory_space<vmem>> -> memref<16xi32, #tpu.memory_space<vmem>>
    %dma_start3A_23 = arith.constant 0 : i32
    %dma_start3A_24 = arith.constant 0 : i32
    %dma_start3A_25 = tpu.memref_slice %arg2[%dma_start3A_23, %dma_start3A_24] : memref<32768x1024xf32, #tpu.memory_space<hbm>> -> memref<32768x1024xf32, #tpu.memory_space<hbm>>
    tpu.enqueue_indirect_dma source(%dma_start3A_25 : memref<32768x1024xf32, #tpu.memory_space<hbm>>) target(%dma_start3A_19 : memref<16x1024xf32, #tpu.memory_space<vmem>>) offsets(%dma_start3A_22 : memref<16xi32, #tpu.memory_space<vmem>>) semaphore(%arg13 : memref<!tpu.dma_semaphore, #tpu.memory_space<semaphore_mem>>)
    %dma_start3A_26 = arith.constant 2 : i32
    %dma_start3A_27 = arith.constant 2 : i32
    %dma_start3A_28 = arith.constant 0 : i32
    %dma_start3A_29 = arith.constant 0 : i32
    %dma_start3A_30 = tpu.memref_slice %arg8[%dma_start3A_27, %dma_start3A_28, %dma_start3A_29] : memref<4x16x1024xf32, #tpu.memory_space<vmem>> -> memref<1x16x1024xf32, #tpu.memory_space<vmem>>
    %dma_start3A_31 = tpu.memref_squeeze %dma_start3A_30 : memref<1x16x1024xf32, #tpu.memory_space<vmem>> -> memref<16x1024xf32, #tpu.memory_space<vmem>>
    %dma_start3A_32 = arith.constant 0 : i32
    %dma_start3A_33 = tpu.memref_slice %arg7[%dma_start3A_26, %dma_start3A_32] : memref<4x16xi32, #tpu.memory_space<vmem>> -> memref<1x16xi32, #tpu.memory_space<vmem>>
    %dma_start3A_34 = tpu.memref_squeeze %dma_start3A_33 : memref<1x16xi32, #tpu.memory_space<vmem>> -> memref<16xi32, #tpu.memory_space<vmem>>
    %dma_start3A_35 = arith.constant 0 : i32
    %dma_start3A_36 = arith.constant 0 : i32
    %dma_start3A_37 = tpu.memref_slice %arg2[%dma_start3A_35, %dma_start3A_36] : memref<32768x1024xf32, #tpu.memory_space<hbm>> -> memref<32768x1024xf32, #tpu.memory_space<hbm>>
    tpu.enqueue_indirect_dma source(%dma_start3A_37 : memref<32768x1024xf32, #tpu.memory_space<hbm>>) target(%dma_start3A_31 : memref<16x1024xf32, #tpu.memory_space<vmem>>) offsets(%dma_start3A_34 : memref<16xi32, #tpu.memory_space<vmem>>) semaphore(%arg14 : memref<!tpu.dma_semaphore, #tpu.memory_space<semaphore_mem>>)
    %dma_start3A_38 = arith.constant 3 : i32
    %dma_start3A_39 = arith.constant 3 : i32
    %dma_start3A_40 = arith.constant 0 : i32
    %dma_start3A_41 = arith.constant 0 : i32
    %dma_start3A_42 = tpu.memref_slice %arg8[%dma_start3A_39, %dma_start3A_40, %dma_start3A_41] : memref<4x16x1024xf32, #tpu.memory_space<vmem>> -> memref<1x16x1024xf32, #tpu.memory_space<vmem>>
    %dma_start3A_43 = tpu.memref_squeeze %dma_start3A_42 : memref<1x16x1024xf32, #tpu.memory_space<vmem>> -> memref<16x1024xf32, #tpu.memory_space<vmem>>
    %dma_start3A_44 = arith.constant 0 : i32
    %dma_start3A_45 = tpu.memref_slice %arg7[%dma_start3A_38, %dma_start3A_44] : memref<4x16xi32, #tpu.memory_space<vmem>> -> memref<1x16xi32, #tpu.memory_space<vmem>>
    %dma_start3A_46 = tpu.memref_squeeze %dma_start3A_45 : memref<1x16xi32, #tpu.memory_space<vmem>> -> memref<16xi32, #tpu.memory_space<vmem>>
    %dma_start3A_47 = arith.constant 0 : i32
    %dma_start3A_48 = arith.constant 0 : i32
    %dma_start3A_49 = tpu.memref_slice %arg2[%dma_start3A_47, %dma_start3A_48] : memref<32768x1024xf32, #tpu.memory_space<hbm>> -> memref<32768x1024xf32, #tpu.memory_space<hbm>>
    tpu.enqueue_indirect_dma source(%dma_start3A_49 : memref<32768x1024xf32, #tpu.memory_space<hbm>>) target(%dma_start3A_43 : memref<16x1024xf32, #tpu.memory_space<vmem>>) offsets(%dma_start3A_46 : memref<16xi32, #tpu.memory_space<vmem>>) semaphore(%arg15 : memref<!tpu.dma_semaphore, #tpu.memory_space<semaphore_mem>>)
    "tpu.region"() ({
      %run_scoped3A = tpu.sem_alloc : memref<!tpu.dma_semaphore, #tpu.memory_space<semaphore_mem>>
      tpu.enqueue_dma source(%arg4 : memref<1024xf32, #tpu.memory_space<hbm>>) target(%arg9 : memref<1024xf32, #tpu.memory_space<vmem>>) target_semaphore(%run_scoped3A : memref<!tpu.dma_semaphore, #tpu.memory_space<semaphore_mem>>)
      tpu.wait_dma2 semaphore(%run_scoped3A : memref<!tpu.dma_semaphore, #tpu.memory_space<semaphore_mem>>) src(%arg4 : memref<1024xf32, #tpu.memory_space<hbm>>) dst(%arg9 : memref<1024xf32, #tpu.memory_space<vmem>>)
      tpu.yield
    }) : () -> ()
    "tpu.region"() ({
      %run_scoped3A = tpu.sem_alloc : memref<!tpu.dma_semaphore, #tpu.memory_space<semaphore_mem>>
      tpu.enqueue_dma source(%arg5 : memref<16xf32, #tpu.memory_space<hbm>>) target(%arg10 : memref<16xf32, #tpu.memory_space<vmem>>) target_semaphore(%run_scoped3A : memref<!tpu.dma_semaphore, #tpu.memory_space<semaphore_mem>>)
      tpu.wait_dma2 semaphore(%run_scoped3A : memref<!tpu.dma_semaphore, #tpu.memory_space<semaphore_mem>>) src(%arg5 : memref<16xf32, #tpu.memory_space<hbm>>) dst(%arg10 : memref<16xf32, #tpu.memory_space<vmem>>)
      tpu.yield
    }) : () -> ()
    %get3A = arith.constant 0 : index
    %get3A_50 = tpu.vector_load %arg10[%get3A] {strides = array<i32>} : memref<16xf32, #tpu.memory_space<vmem>>, vector<16xf32>,
    %get3A_51 = vector.shape_cast %get3A_50 : vector<16xf32> to vector<16xf32>
    %iota3A = tpu.iota {dimensions = array<i32: 0>} : vector<16xi32>
    %xor3A = arith.constant 8 : i32
    %xor3A_52 = vector.broadcast %xor3A : i32 to vector<16xi32>
    %xor3A_53 = arith.xori %iota3A, %xor3A_52 : vector<16xi32>
    %xor3A_54 = arith.constant 4 : i32
    %xor3A_55 = vector.broadcast %xor3A_54 : i32 to vector<16xi32>
    %xor3A_56 = arith.xori %iota3A, %xor3A_55 : vector<16xi32>
    %xor3A_57 = arith.constant 2 : i32
    %xor3A_58 = vector.broadcast %xor3A_57 : i32 to vector<16xi32>
    %xor3A_59 = arith.xori %iota3A, %xor3A_58 : vector<16xi32>
    %xor3A_60 = arith.constant 1 : i32
    %xor3A_61 = vector.broadcast %xor3A_60 : i32 to vector<16xi32>
    %xor3A_62 = arith.xori %iota3A, %xor3A_61 : vector<16xi32>
    %and3A = arith.constant 8 : i32
    %and3A_63 = vector.broadcast %and3A : i32 to vector<16xi32>
    %and3A_64 = arith.andi %iota3A, %and3A_63 : vector<16xi32>
    %eq3A = arith.constant 0 : i32
    %eq3A_65 = vector.broadcast %eq3A : i32 to vector<16xi32>
    %eq3A_66 = arith.cmpi eq, %and3A_64, %eq3A_65 : vector<16xi32>
    %and3A_67 = arith.constant 4 : i32
    %and3A_68 = vector.broadcast %and3A_67 : i32 to vector<16xi32>
    %and3A_69 = arith.andi %iota3A, %and3A_68 : vector<16xi32>
    %eq3A_70 = arith.constant 0 : i32
    %eq3A_71 = vector.broadcast %eq3A_70 : i32 to vector<16xi32>
    %eq3A_72 = arith.cmpi eq, %and3A_69, %eq3A_71 : vector<16xi32>
    %and3A_73 = arith.constant 2 : i32
    %and3A_74 = vector.broadcast %and3A_73 : i32 to vector<16xi32>
    %and3A_75 = arith.andi %iota3A, %and3A_74 : vector<16xi32>
    %eq3A_76 = arith.constant 0 : i32
    %eq3A_77 = vector.broadcast %eq3A_76 : i32 to vector<16xi32>
    %eq3A_78 = arith.cmpi eq, %and3A_75, %eq3A_77 : vector<16xi32>
    %and3A_79 = arith.constant 1 : i32
    %and3A_80 = vector.broadcast %and3A_79 : i32 to vector<16xi32>
    %and3A_81 = arith.andi %iota3A, %and3A_80 : vector<16xi32>
    %eq3A_82 = arith.constant 0 : i32
    %eq3A_83 = vector.broadcast %eq3A_82 : i32 to vector<16xi32>
    %eq3A_84 = arith.cmpi eq, %and3A_81, %eq3A_83 : vector<16xi32>
    %dma_wait3A = arith.constant 0 : i32
    %dma_wait3A_85 = arith.constant 0 : i32
    %dma_wait3A_86 = arith.constant 0 : i32
    %dma_wait3A_87 = arith.constant 0 : i32
    %dma_wait3A_88 = tpu.memref_slice %arg8[%dma_wait3A_85, %dma_wait3A_86, %dma_wait3A_87] : memref<4x16x1024xf32, #tpu.memory_space<vmem>> -> memref<1x16x1024xf32, #tpu.memory_space<vmem>>
    %dma_wait3A_89 = tpu.memref_squeeze %dma_wait3A_88 : memref<1x16x1024xf32, #tpu.memory_space<vmem>> -> memref<16x1024xf32, #tpu.memory_space<vmem>>
    %dma_wait3A_90 = arith.constant 0 : i32
    %dma_wait3A_91 = tpu.memref_slice %arg7[%dma_wait3A, %dma_wait3A_90] : memref<4x16xi32, #tpu.memory_space<vmem>> -> memref<1x16xi32, #tpu.memory_space<vmem>>
    %dma_wait3A_92 = tpu.memref_squeeze %dma_wait3A_91 : memref<1x16xi32, #tpu.memory_space<vmem>> -> memref<16xi32, #tpu.memory_space<vmem>>
    %dma_wait3A_93 = arith.constant 0 : i32
    %dma_wait3A_94 = arith.constant 0 : i32
    %dma_wait3A_95 = tpu.memref_slice %arg2[%dma_wait3A_93, %dma_wait3A_94] : memref<32768x1024xf32, #tpu.memory_space<hbm>> -> memref<32768x1024xf32, #tpu.memory_space<hbm>>
    tpu.wait_indirect_dma semaphore(%arg12 : memref<!tpu.dma_semaphore, #tpu.memory_space<semaphore_mem>>) src(%dma_wait3A_95 : memref<32768x1024xf32, #tpu.memory_space<hbm>>) dst(%dma_wait3A_89 : memref<16x1024xf32, #tpu.memory_space<vmem>>)
    %broadcast_in_dim3A = arith.constant 0.000000e+00 : f32
    %broadcast_in_dim3A_96 = vector.broadcast %broadcast_in_dim3A : f32 to vector<16xf32>
    %broadcast_in_dim3A_97 = arith.constant 0.000000e+00 : f32
    %broadcast_in_dim3A_98 = vector.broadcast %broadcast_in_dim3A_97 : f32 to vector<16xf32>
    %broadcast_in_dim3A_99 = arith.constant 0.000000e+00 : f32
    %broadcast_in_dim3A_100 = vector.broadcast %broadcast_in_dim3A_99 : f32 to vector<16xf32>
    %broadcast_in_dim3A_101 = arith.constant 0.000000e+00 : f32
    %broadcast_in_dim3A_102 = vector.broadcast %broadcast_in_dim3A_101 : f32 to vector<16xf32>
    %broadcast_in_dim3A_103 = arith.constant 0.000000e+00 : f32
    %broadcast_in_dim3A_104 = vector.broadcast %broadcast_in_dim3A_103 : f32 to vector<16xf32>
    %broadcast_in_dim3A_105 = arith.constant 0.000000e+00 : f32
    %broadcast_in_dim3A_106 = vector.broadcast %broadcast_in_dim3A_105 : f32 to vector<16xf32>
    %broadcast_in_dim3A_107 = arith.constant 0.000000e+00 : f32
    %broadcast_in_dim3A_108 = vector.broadcast %broadcast_in_dim3A_107 : f32 to vector<16xf32>
    %broadcast_in_dim3A_109 = arith.constant 0.000000e+00 : f32
    %broadcast_in_dim3A_110 = vector.broadcast %broadcast_in_dim3A_109 : f32 to vector<16xf32>
    %broadcast_in_dim3A_111 = arith.constant 0.000000e+00 : f32
    %broadcast_in_dim3A_112 = vector.broadcast %broadcast_in_dim3A_111 : f32 to vector<16xf32>
    %broadcast_in_dim3A_113 = arith.constant 0.000000e+00 : f32
    %broadcast_in_dim3A_114 = vector.broadcast %broadcast_in_dim3A_113 : f32 to vector<16xf32>
    %broadcast_in_dim3A_115 = arith.constant 0.000000e+00 : f32
    %broadcast_in_dim3A_116 = vector.broadcast %broadcast_in_dim3A_115 : f32 to vector<16xf32>
    %broadcast_in_dim3A_117 = arith.constant 0.000000e+00 : f32
    %broadcast_in_dim3A_118 = vector.broadcast %broadcast_in_dim3A_117 : f32 to vector<16xf32>
    %broadcast_in_dim3A_119 = arith.constant 0.000000e+00 : f32
    %broadcast_in_dim3A_120 = vector.broadcast %broadcast_in_dim3A_119 : f32 to vector<16xf32>
    %broadcast_in_dim3A_121 = arith.constant 0.000000e+00 : f32
    %broadcast_in_dim3A_122 = vector.broadcast %broadcast_in_dim3A_121 : f32 to vector<16xf32>
    %broadcast_in_dim3A_123 = arith.constant 0.000000e+00 : f32
    %broadcast_in_dim3A_124 = vector.broadcast %broadcast_in_dim3A_123 : f32 to vector<16xf32>
    %broadcast_in_dim3A_125 = arith.constant 0.000000e+00 : f32
    %broadcast_in_dim3A_126 = vector.broadcast %broadcast_in_dim3A_125 : f32 to vector<16xf32>
    %scan3A = arith.constant 0 : i32
    %scan3A_127 = arith.constant 64 : i32
    %scan3A_128 = arith.addi %scan3A, %scan3A_127 : i32
    %scan3A_129 = arith.constant 1 : i32
    %scan3A_130:16 = scf.for %scan3A_839 = %scan3A to %scan3A_128 step %scan3A_129 iter_args(%scan3A_840 = %broadcast_in_dim3A_96, %scan3A_841 = %broadcast_in_dim3A_98, %scan3A_842 = %broadcast_in_dim3A_100, %scan3A_843 = %broadcast_in_dim3A_102, %scan3A_844 = %broadcast_in_dim3A_104, %scan3A_845 = %broadcast_in_dim3A_106, %scan3A_846 = %broadcast_in_dim3A_108, %scan3A_847 = %broadcast_in_dim3A_110, %scan3A_848 = %broadcast_in_dim3A_112, %scan3A_849 = %broadcast_in_dim3A_114, %scan3A_850 = %broadcast_in_dim3A_116, %scan3A_851 = %broadcast_in_dim3A_118, %scan3A_852 = %broadcast_in_dim3A_120, %scan3A_853 = %broadcast_in_dim3A_122, %scan3A_854 = %broadcast_in_dim3A_124, %scan3A_855 = %broadcast_in_dim3A_126) -> (vector<16xf32>, vector<16xf32>, vector<16xf32>, vector<16xf32>, vector<16xf32>, vector<16xf32>, vector<16xf32>, vector<16xf32>, vector<16xf32>, vector<16xf32>, vector<16xf32>, vector<16xf32>, vector<16xf32>, vector<16xf32>, vector<16xf32>, vector<16xf32>)  : i32 {
      %mul3A_856 = arith.constant 16 : i32
      %mul3A_857 = arith.muli %scan3A_839, %mul3A_856 : i32
      %get3A_858 = arith.index_cast %mul3A_857 : i32 to index
      %get3A_859 = tpu.vector_load %arg9[%get3A_858] {strides = array<i32>} : memref<1024xf32, #tpu.memory_space<vmem>>, vector<16xf32>,
      %get3A_860 = vector.shape_cast %get3A_859 : vector<16xf32> to vector<16xf32>
      %get3A_861 = arith.constant 0 : i32
      %get3A_862 = arith.constant 0 : i32
      %get3A_863 = arith.index_cast %get3A_861 : i32 to index
      %get3A_864 = arith.index_cast %get3A_862 : i32 to index
      %get3A_865 = arith.index_cast %mul3A_857 : i32 to index
      %get3A_866 = tpu.vector_load %arg8[%get3A_863, %get3A_864, %get3A_865] {strides = array<i32>} : memref<4x16x1024xf32, #tpu.memory_space<vmem>>, vector<1x1x16xf32>,
      %get3A_867 = vector.shape_cast %get3A_866 : vector<1x1x16xf32> to vector<16xf32>
      %mul3A_868 = arith.mulf %get3A_867, %get3A_860 : vector<16xf32>
      %add3A_869 = arith.addf %scan3A_840, %mul3A_868 : vector<16xf32>
      %get3A_870 = arith.constant 0 : i32
      %get3A_871 = arith.constant 1 : i32
      %get3A_872 = arith.index_cast %get3A_870 : i32 to index
      %get3A_873 = arith.index_cast %get3A_871 : i32 to index
      %get3A_874 = arith.index_cast %mul3A_857 : i32 to index
      %get3A_875 = tpu.vector_load %arg8[%get3A_872, %get3A_873, %get3A_874] {strides = array<i32>} : memref<4x16x1024xf32, #tpu.memory_space<vmem>>, vector<1x1x16xf32>,
      %get3A_876 = vector.shape_cast %get3A_875 : vector<1x1x16xf32> to vector<16xf32>
      %mul3A_877 = arith.mulf %get3A_876, %get3A_860 : vector<16xf32>
      %add3A_878 = arith.addf %scan3A_841, %mul3A_877 : vector<16xf32>
      %get3A_879 = arith.constant 0 : i32
      %get3A_880 = arith.constant 2 : i32
      %get3A_881 = arith.index_cast %get3A_879 : i32 to index
      %get3A_882 = arith.index_cast %get3A_880 : i32 to index
      %get3A_883 = arith.index_cast %mul3A_857 : i32 to index
      %get3A_884 = tpu.vector_load %arg8[%get3A_881, %get3A_882, %get3A_883] {strides = array<i32>} : memref<4x16x1024xf32, #tpu.memory_space<vmem>>, vector<1x1x16xf32>,
      %get3A_885 = vector.shape_cast %get3A_884 : vector<1x1x16xf32> to vector<16xf32>
      %mul3A_886 = arith.mulf %get3A_885, %get3A_860 : vector<16xf32>
      %add3A_887 = arith.addf %scan3A_842, %mul3A_886 : vector<16xf32>
      %get3A_888 = arith.constant 0 : i32
      %get3A_889 = arith.constant 3 : i32
      %get3A_890 = arith.index_cast %get3A_888 : i32 to index
      %get3A_891 = arith.index_cast %get3A_889 : i32 to index
      %get3A_892 = arith.index_cast %mul3A_857 : i32 to index
      %get3A_893 = tpu.vector_load %arg8[%get3A_890, %get3A_891, %get3A_892] {strides = array<i32>} : memref<4x16x1024xf32, #tpu.memory_space<vmem>>, vector<1x1x16xf32>,
      %get3A_894 = vector.shape_cast %get3A_893 : vector<1x1x16xf32> to vector<16xf32>
      %mul3A_895 = arith.mulf %get3A_894, %get3A_860 : vector<16xf32>
      %add3A_896 = arith.addf %scan3A_843, %mul3A_895 : vector<16xf32>
      %get3A_897 = arith.constant 0 : i32
      %get3A_898 = arith.constant 4 : i32
      %get3A_899 = arith.index_cast %get3A_897 : i32 to index
      %get3A_900 = arith.index_cast %get3A_898 : i32 to index
      %get3A_901 = arith.index_cast %mul3A_857 : i32 to index
      %get3A_902 = tpu.vector_load %arg8[%get3A_899, %get3A_900, %get3A_901] {strides = array<i32>} : memref<4x16x1024xf32, #tpu.memory_space<vmem>>, vector<1x1x16xf32>,
      %get3A_903 = vector.shape_cast %get3A_902 : vector<1x1x16xf32> to vector<16xf32>
      %mul3A_904 = arith.mulf %get3A_903, %get3A_860 : vector<16xf32>
      %add3A_905 = arith.addf %scan3A_844, %mul3A_904 : vector<16xf32>
      %get3A_906 = arith.constant 0 : i32
      %get3A_907 = arith.constant 5 : i32
      %get3A_908 = arith.index_cast %get3A_906 : i32 to index
      %get3A_909 = arith.index_cast %get3A_907 : i32 to index
      %get3A_910 = arith.index_cast %mul3A_857 : i32 to index
      %get3A_911 = tpu.vector_load %arg8[%get3A_908, %get3A_909, %get3A_910] {strides = array<i32>} : memref<4x16x1024xf32, #tpu.memory_space<vmem>>, vector<1x1x16xf32>,
      %get3A_912 = vector.shape_cast %get3A_911 : vector<1x1x16xf32> to vector<16xf32>
      %mul3A_913 = arith.mulf %get3A_912, %get3A_860 : vector<16xf32>
      %add3A_914 = arith.addf %scan3A_845, %mul3A_913 : vector<16xf32>
      %get3A_915 = arith.constant 0 : i32
      %get3A_916 = arith.constant 6 : i32
      %get3A_917 = arith.index_cast %get3A_915 : i32 to index
      %get3A_918 = arith.index_cast %get3A_916 : i32 to index
      %get3A_919 = arith.index_cast %mul3A_857 : i32 to index
      %get3A_920 = tpu.vector_load %arg8[%get3A_917, %get3A_918, %get3A_919] {strides = array<i32>} : memref<4x16x1024xf32, #tpu.memory_space<vmem>>, vector<1x1x16xf32>,
      %get3A_921 = vector.shape_cast %get3A_920 : vector<1x1x16xf32> to vector<16xf32>
      %mul3A_922 = arith.mulf %get3A_921, %get3A_860 : vector<16xf32>
      %add3A_923 = arith.addf %scan3A_846, %mul3A_922 : vector<16xf32>
      %get3A_924 = arith.constant 0 : i32
      %get3A_925 = arith.constant 7 : i32
      %get3A_926 = arith.index_cast %get3A_924 : i32 to index
      %get3A_927 = arith.index_cast %get3A_925 : i32 to index
      %get3A_928 = arith.index_cast %mul3A_857 : i32 to index
      %get3A_929 = tpu.vector_load %arg8[%get3A_926, %get3A_927, %get3A_928] {strides = array<i32>} : memref<4x16x1024xf32, #tpu.memory_space<vmem>>, vector<1x1x16xf32>,
      %get3A_930 = vector.shape_cast %get3A_929 : vector<1x1x16xf32> to vector<16xf32>
      %mul3A_931 = arith.mulf %get3A_930, %get3A_860 : vector<16xf32>
      %add3A_932 = arith.addf %scan3A_847, %mul3A_931 : vector<16xf32>
      %get3A_933 = arith.constant 0 : i32
      %get3A_934 = arith.constant 8 : i32
      %get3A_935 = arith.index_cast %get3A_933 : i32 to index
      %get3A_936 = arith.index_cast %get3A_934 : i32 to index
      %get3A_937 = arith.index_cast %mul3A_857 : i32 to index
      %get3A_938 = tpu.vector_load %arg8[%get3A_935, %get3A_936, %get3A_937] {strides = array<i32>} : memref<4x16x1024xf32, #tpu.memory_space<vmem>>, vector<1x1x16xf32>,
      %get3A_939 = vector.shape_cast %get3A_938 : vector<1x1x16xf32> to vector<16xf32>
      %mul3A_940 = arith.mulf %get3A_939, %get3A_860 : vector<16xf32>
      %add3A_941 = arith.addf %scan3A_848, %mul3A_940 : vector<16xf32>
      %get3A_942 = arith.constant 0 : i32
      %get3A_943 = arith.constant 9 : i32
      %get3A_944 = arith.index_cast %get3A_942 : i32 to index
      %get3A_945 = arith.index_cast %get3A_943 : i32 to index
      %get3A_946 = arith.index_cast %mul3A_857 : i32 to index
      %get3A_947 = tpu.vector_load %arg8[%get3A_944, %get3A_945, %get3A_946] {strides = array<i32>} : memref<4x16x1024xf32, #tpu.memory_space<vmem>>, vector<1x1x16xf32>,
      %get3A_948 = vector.shape_cast %get3A_947 : vector<1x1x16xf32> to vector<16xf32>
      %mul3A_949 = arith.mulf %get3A_948, %get3A_860 : vector<16xf32>
      %add3A_950 = arith.addf %scan3A_849, %mul3A_949 : vector<16xf32>
      %get3A_951 = arith.constant 0 : i32
      %get3A_952 = arith.constant 10 : i32
      %get3A_953 = arith.index_cast %get3A_951 : i32 to index
      %get3A_954 = arith.index_cast %get3A_952 : i32 to index
      %get3A_955 = arith.index_cast %mul3A_857 : i32 to index
      %get3A_956 = tpu.vector_load %arg8[%get3A_953, %get3A_954, %get3A_955] {strides = array<i32>} : memref<4x16x1024xf32, #tpu.memory_space<vmem>>, vector<1x1x16xf32>,
      %get3A_957 = vector.shape_cast %get3A_956 : vector<1x1x16xf32> to vector<16xf32>
      %mul3A_958 = arith.mulf %get3A_957, %get3A_860 : vector<16xf32>
      %add3A_959 = arith.addf %scan3A_850, %mul3A_958 : vector<16xf32>
      %get3A_960 = arith.constant 0 : i32
      %get3A_961 = arith.constant 11 : i32
      %get3A_962 = arith.index_cast %get3A_960 : i32 to index
      %get3A_963 = arith.index_cast %get3A_961 : i32 to index
      %get3A_964 = arith.index_cast %mul3A_857 : i32 to index
      %get3A_965 = tpu.vector_load %arg8[%get3A_962, %get3A_963, %get3A_964] {strides = array<i32>} : memref<4x16x1024xf32, #tpu.memory_space<vmem>>, vector<1x1x16xf32>,
      %get3A_966 = vector.shape_cast %get3A_965 : vector<1x1x16xf32> to vector<16xf32>
      %mul3A_967 = arith.mulf %get3A_966, %get3A_860 : vector<16xf32>
      %add3A_968 = arith.addf %scan3A_851, %mul3A_967 : vector<16xf32>
      %get3A_969 = arith.constant 0 : i32
      %get3A_970 = arith.constant 12 : i32
      %get3A_971 = arith.index_cast %get3A_969 : i32 to index
      %get3A_972 = arith.index_cast %get3A_970 : i32 to index
      %get3A_973 = arith.index_cast %mul3A_857 : i32 to index
      %get3A_974 = tpu.vector_load %arg8[%get3A_971, %get3A_972, %get3A_973] {strides = array<i32>} : memref<4x16x1024xf32, #tpu.memory_space<vmem>>, vector<1x1x16xf32>,
      %get3A_975 = vector.shape_cast %get3A_974 : vector<1x1x16xf32> to vector<16xf32>
      %mul3A_976 = arith.mulf %get3A_975, %get3A_860 : vector<16xf32>
      %add3A_977 = arith.addf %scan3A_852, %mul3A_976 : vector<16xf32>
      %get3A_978 = arith.constant 0 : i32
      %get3A_979 = arith.constant 13 : i32
      %get3A_980 = arith.index_cast %get3A_978 : i32 to index
      %get3A_981 = arith.index_cast %get3A_979 : i32 to index
      %get3A_982 = arith.index_cast %mul3A_857 : i32 to index
      %get3A_983 = tpu.vector_load %arg8[%get3A_980, %get3A_981, %get3A_982] {strides = array<i32>} : memref<4x16x1024xf32, #tpu.memory_space<vmem>>, vector<1x1x16xf32>,
      %get3A_984 = vector.shape_cast %get3A_983 : vector<1x1x16xf32> to vector<16xf32>
      %mul3A_985 = arith.mulf %get3A_984, %get3A_860 : vector<16xf32>
      %add3A_986 = arith.addf %scan3A_853, %mul3A_985 : vector<16xf32>
      %get3A_987 = arith.constant 0 : i32
      %get3A_988 = arith.constant 14 : i32
      %get3A_989 = arith.index_cast %get3A_987 : i32 to index
      %get3A_990 = arith.index_cast %get3A_988 : i32 to index
      %get3A_991 = arith.index_cast %mul3A_857 : i32 to index
      %get3A_992 = tpu.vector_load %arg8[%get3A_989, %get3A_990, %get3A_991] {strides = array<i32>} : memref<4x16x1024xf32, #tpu.memory_space<vmem>>, vector<1x1x16xf32>,
      %get3A_993 = vector.shape_cast %get3A_992 : vector<1x1x16xf32> to vector<16xf32>
      %mul3A_994 = arith.mulf %get3A_993, %get3A_860 : vector<16xf32>
      %add3A_995 = arith.addf %scan3A_854, %mul3A_994 : vector<16xf32>
      %get3A_996 = arith.constant 0 : i32
      %get3A_997 = arith.constant 15 : i32
      %get3A_998 = arith.index_cast %get3A_996 : i32 to index
      %get3A_999 = arith.index_cast %get3A_997 : i32 to index
      %get3A_1000 = arith.index_cast %mul3A_857 : i32 to index
      %get3A_1001 = tpu.vector_load %arg8[%get3A_998, %get3A_999, %get3A_1000] {strides = array<i32>} : memref<4x16x1024xf32, #tpu.memory_space<vmem>>, vector<1x1x16xf32>,
      %get3A_1002 = vector.shape_cast %get3A_1001 : vector<1x1x16xf32> to vector<16xf32>
      %mul3A_1003 = arith.mulf %get3A_1002, %get3A_860 : vector<16xf32>
      %add3A_1004 = arith.addf %scan3A_855, %mul3A_1003 : vector<16xf32>
      scf.yield %add3A_869, %add3A_878, %add3A_887, %add3A_896, %add3A_905, %add3A_914, %add3A_923, %add3A_932, %add3A_941, %add3A_950, %add3A_959, %add3A_968, %add3A_977, %add3A_986, %add3A_995, %add3A_1004 : vector<16xf32>, vector<16xf32>, vector<16xf32>, vector<16xf32>, vector<16xf32>, vector<16xf32>, vector<16xf32>, vector<16xf32>, vector<16xf32>, vector<16xf32>, vector<16xf32>, vector<16xf32>, vector<16xf32>, vector<16xf32>, vector<16xf32>, vector<16xf32>
    }
    %scan3A_131 = arith.constant 64 : i32
    %broadcast_in_dim3A_132 = vector.shape_cast %xor3A_53 : vector<16xi32> to vector<16x1xi32>
    %gather3A = vector.shape_cast %broadcast_in_dim3A_132 : vector<16x1xi32> to vector<16xi32>
    %gather3A_133 = tpu.dynamic_gather %scan3A_130#0[%gather3A] in [0] : vector<16xf32>, vector<16xi32> -> vector<16xf32>
    %add3A_134 = arith.addf %scan3A_130#0, %gather3A_133 : vector<16xf32>
    %broadcast_in_dim3A_135 = vector.shape_cast %xor3A_53 : vector<16xi32> to vector<16x1xi32>
    %gather3A_136 = vector.shape_cast %broadcast_in_dim3A_135 : vector<16x1xi32> to vector<16xi32>
    %gather3A_137 = tpu.dynamic_gather %scan3A_130#8[%gather3A_136] in [0] : vector<16xf32>, vector<16xi32> -> vector<16xf32>
    %add3A_138 = arith.addf %scan3A_130#8, %gather3A_137 : vector<16xf32>
    %select_n3A = arith.select %eq3A_66, %add3A_134, %add3A_138 : vector<16xi1>, vector<16xf32>
    %broadcast_in_dim3A_139 = vector.shape_cast %xor3A_53 : vector<16xi32> to vector<16x1xi32>
    %gather3A_140 = vector.shape_cast %broadcast_in_dim3A_139 : vector<16x1xi32> to vector<16xi32>
    %gather3A_141 = tpu.dynamic_gather %scan3A_130#1[%gather3A_140] in [0] : vector<16xf32>, vector<16xi32> -> vector<16xf32>
    %add3A_142 = arith.addf %scan3A_130#1, %gather3A_141 : vector<16xf32>
    %broadcast_in_dim3A_143 = vector.shape_cast %xor3A_53 : vector<16xi32> to vector<16x1xi32>
    %gather3A_144 = vector.shape_cast %broadcast_in_dim3A_143 : vector<16x1xi32> to vector<16xi32>
    %gather3A_145 = tpu.dynamic_gather %scan3A_130#9[%gather3A_144] in [0] : vector<16xf32>, vector<16xi32> -> vector<16xf32>
    %add3A_146 = arith.addf %scan3A_130#9, %gather3A_145 : vector<16xf32>
    %select_n3A_147 = arith.select %eq3A_66, %add3A_142, %add3A_146 : vector<16xi1>, vector<16xf32>
    %broadcast_in_dim3A_148 = vector.shape_cast %xor3A_53 : vector<16xi32> to vector<16x1xi32>
    %gather3A_149 = vector.shape_cast %broadcast_in_dim3A_148 : vector<16x1xi32> to vector<16xi32>
    %gather3A_150 = tpu.dynamic_gather %scan3A_130#2[%gather3A_149] in [0] : vector<16xf32>, vector<16xi32> -> vector<16xf32>
    %add3A_151 = arith.addf %scan3A_130#2, %gather3A_150 : vector<16xf32>
    %broadcast_in_dim3A_152 = vector.shape_cast %xor3A_53 : vector<16xi32> to vector<16x1xi32>
    %gather3A_153 = vector.shape_cast %broadcast_in_dim3A_152 : vector<16x1xi32> to vector<16xi32>
    %gather3A_154 = tpu.dynamic_gather %scan3A_130#10[%gather3A_153] in [0] : vector<16xf32>, vector<16xi32> -> vector<16xf32>
    %add3A_155 = arith.addf %scan3A_130#10, %gather3A_154 : vector<16xf32>
    %select_n3A_156 = arith.select %eq3A_66, %add3A_151, %add3A_155 : vector<16xi1>, vector<16xf32>
    %broadcast_in_dim3A_157 = vector.shape_cast %xor3A_53 : vector<16xi32> to vector<16x1xi32>
    %gather3A_158 = vector.shape_cast %broadcast_in_dim3A_157 : vector<16x1xi32> to vector<16xi32>
    %gather3A_159 = tpu.dynamic_gather %scan3A_130#3[%gather3A_158] in [0] : vector<16xf32>, vector<16xi32> -> vector<16xf32>
    %add3A_160 = arith.addf %scan3A_130#3, %gather3A_159 : vector<16xf32>
    %broadcast_in_dim3A_161 = vector.shape_cast %xor3A_53 : vector<16xi32> to vector<16x1xi32>
    %gather3A_162 = vector.shape_cast %broadcast_in_dim3A_161 : vector<16x1xi32> to vector<16xi32>
    %gather3A_163 = tpu.dynamic_gather %scan3A_130#11[%gather3A_162] in [0] : vector<16xf32>, vector<16xi32> -> vector<16xf32>
    %add3A_164 = arith.addf %scan3A_130#11, %gather3A_163 : vector<16xf32>
    %select_n3A_165 = arith.select %eq3A_66, %add3A_160, %add3A_164 : vector<16xi1>, vector<16xf32>
    %broadcast_in_dim3A_166 = vector.shape_cast %xor3A_53 : vector<16xi32> to vector<16x1xi32>
    %gather3A_167 = vector.shape_cast %broadcast_in_dim3A_166 : vector<16x1xi32> to vector<16xi32>
    %gather3A_168 = tpu.dynamic_gather %scan3A_130#4[%gather3A_167] in [0] : vector<16xf32>, vector<16xi32> -> vector<16xf32>
    %add3A_169 = arith.addf %scan3A_130#4, %gather3A_168 : vector<16xf32>
    %broadcast_in_dim3A_170 = vector.shape_cast %xor3A_53 : vector<16xi32> to vector<16x1xi32>
    %gather3A_171 = vector.shape_cast %broadcast_in_dim3A_170 : vector<16x1xi32> to vector<16xi32>
    %gather3A_172 = tpu.dynamic_gather %scan3A_130#12[%gather3A_171] in [0] : vector<16xf32>, vector<16xi32> -> vector<16xf32>
    %add3A_173 = arith.addf %scan3A_130#12, %gather3A_172 : vector<16xf32>
    %select_n3A_174 = arith.select %eq3A_66, %add3A_169, %add3A_173 : vector<16xi1>, vector<16xf32>
    %broadcast_in_dim3A_175 = vector.shape_cast %xor3A_53 : vector<16xi32> to vector<16x1xi32>
    %gather3A_176 = vector.shape_cast %broadcast_in_dim3A_175 : vector<16x1xi32> to vector<16xi32>
    %gather3A_177 = tpu.dynamic_gather %scan3A_130#5[%gather3A_176] in [0] : vector<16xf32>, vector<16xi32> -> vector<16xf32>
    %add3A_178 = arith.addf %scan3A_130#5, %gather3A_177 : vector<16xf32>
    %broadcast_in_dim3A_179 = vector.shape_cast %xor3A_53 : vector<16xi32> to vector<16x1xi32>
    %gather3A_180 = vector.shape_cast %broadcast_in_dim3A_179 : vector<16x1xi32> to vector<16xi32>
    %gather3A_181 = tpu.dynamic_gather %scan3A_130#13[%gather3A_180] in [0] : vector<16xf32>, vector<16xi32> -> vector<16xf32>
    %add3A_182 = arith.addf %scan3A_130#13, %gather3A_181 : vector<16xf32>
    %select_n3A_183 = arith.select %eq3A_66, %add3A_178, %add3A_182 : vector<16xi1>, vector<16xf32>
    %broadcast_in_dim3A_184 = vector.shape_cast %xor3A_53 : vector<16xi32> to vector<16x1xi32>
    %gather3A_185 = vector.shape_cast %broadcast_in_dim3A_184 : vector<16x1xi32> to vector<16xi32>
    %gather3A_186 = tpu.dynamic_gather %scan3A_130#6[%gather3A_185] in [0] : vector<16xf32>, vector<16xi32> -> vector<16xf32>
    %add3A_187 = arith.addf %scan3A_130#6, %gather3A_186 : vector<16xf32>
    %broadcast_in_dim3A_188 = vector.shape_cast %xor3A_53 : vector<16xi32> to vector<16x1xi32>
    %gather3A_189 = vector.shape_cast %broadcast_in_dim3A_188 : vector<16x1xi32> to vector<16xi32>
    %gather3A_190 = tpu.dynamic_gather %scan3A_130#14[%gather3A_189] in [0] : vector<16xf32>, vector<16xi32> -> vector<16xf32>
    %add3A_191 = arith.addf %scan3A_130#14, %gather3A_190 : vector<16xf32>
    %select_n3A_192 = arith.select %eq3A_66, %add3A_187, %add3A_191 : vector<16xi1>, vector<16xf32>
    %broadcast_in_dim3A_193 = vector.shape_cast %xor3A_53 : vector<16xi32> to vector<16x1xi32>
    %gather3A_194 = vector.shape_cast %broadcast_in_dim3A_193 : vector<16x1xi32> to vector<16xi32>
    %gather3A_195 = tpu.dynamic_gather %scan3A_130#7[%gather3A_194] in [0] : vector<16xf32>, vector<16xi32> -> vector<16xf32>
    %add3A_196 = arith.addf %scan3A_130#7, %gather3A_195 : vector<16xf32>
    %broadcast_in_dim3A_197 = vector.shape_cast %xor3A_53 : vector<16xi32> to vector<16x1xi32>
    %gather3A_198 = vector.shape_cast %broadcast_in_dim3A_197 : vector<16x1xi32> to vector<16xi32>
    %gather3A_199 = tpu.dynamic_gather %scan3A_130#15[%gather3A_198] in [0] : vector<16xf32>, vector<16xi32> -> vector<16xf32>
    %add3A_200 = arith.addf %scan3A_130#15, %gather3A_199 : vector<16xf32>
    %select_n3A_201 = arith.select %eq3A_66, %add3A_196, %add3A_200 : vector<16xi1>, vector<16xf32>
    %broadcast_in_dim3A_202 = vector.shape_cast %xor3A_56 : vector<16xi32> to vector<16x1xi32>
    %gather3A_203 = vector.shape_cast %broadcast_in_dim3A_202 : vector<16x1xi32> to vector<16xi32>
    %gather3A_204 = tpu.dynamic_gather %select_n3A[%gather3A_203] in [0] : vector<16xf32>, vector<16xi32> -> vector<16xf32>
    %add3A_205 = arith.addf %select_n3A, %gather3A_204 : vector<16xf32>
    %broadcast_in_dim3A_206 = vector.shape_cast %xor3A_56 : vector<16xi32> to vector<16x1xi32>
    %gather3A_207 = vector.shape_cast %broadcast_in_dim3A_206 : vector<16x1xi32> to vector<16xi32>
    %gather3A_208 = tpu.dynamic_gather %select_n3A_174[%gather3A_207] in [0] : vector<16xf32>, vector<16xi32> -> vector<16xf32>
    %add3A_209 = arith.addf %select_n3A_174, %gather3A_208 : vector<16xf32>
    %select_n3A_210 = arith.select %eq3A_72, %add3A_205, %add3A_209 : vector<16xi1>, vector<16xf32>
    %broadcast_in_dim3A_211 = vector.shape_cast %xor3A_56 : vector<16xi32> to vector<16x1xi32>
    %gather3A_212 = vector.shape_cast %broadcast_in_dim3A_211 : vector<16x1xi32> to vector<16xi32>
    %gather3A_213 = tpu.dynamic_gather %select_n3A_147[%gather3A_212] in [0] : vector<16xf32>, vector<16xi32> -> vector<16xf32>
    %add3A_214 = arith.addf %select_n3A_147, %gather3A_213 : vector<16xf32>
    %broadcast_in_dim3A_215 = vector.shape_cast %xor3A_56 : vector<16xi32> to vector<16x1xi32>
    %gather3A_216 = vector.shape_cast %broadcast_in_dim3A_215 : vector<16x1xi32> to vector<16xi32>
    %gather3A_217 = tpu.dynamic_gather %select_n3A_183[%gather3A_216] in [0] : vector<16xf32>, vector<16xi32> -> vector<16xf32>
    %add3A_218 = arith.addf %select_n3A_183, %gather3A_217 : vector<16xf32>
    %select_n3A_219 = arith.select %eq3A_72, %add3A_214, %add3A_218 : vector<16xi1>, vector<16xf32>
    %broadcast_in_dim3A_220 = vector.shape_cast %xor3A_56 : vector<16xi32> to vector<16x1xi32>
    %gather3A_221 = vector.shape_cast %broadcast_in_dim3A_220 : vector<16x1xi32> to vector<16xi32>
    %gather3A_222 = tpu.dynamic_gather %select_n3A_156[%gather3A_221] in [0] : vector<16xf32>, vector<16xi32> -> vector<16xf32>
    %add3A_223 = arith.addf %select_n3A_156, %gather3A_222 : vector<16xf32>
    %broadcast_in_dim3A_224 = vector.shape_cast %xor3A_56 : vector<16xi32> to vector<16x1xi32>
    %gather3A_225 = vector.shape_cast %broadcast_in_dim3A_224 : vector<16x1xi32> to vector<16xi32>
    %gather3A_226 = tpu.dynamic_gather %select_n3A_192[%gather3A_225] in [0] : vector<16xf32>, vector<16xi32> -> vector<16xf32>
    %add3A_227 = arith.addf %select_n3A_192, %gather3A_226 : vector<16xf32>
    %select_n3A_228 = arith.select %eq3A_72, %add3A_223, %add3A_227 : vector<16xi1>, vector<16xf32>
    %broadcast_in_dim3A_229 = vector.shape_cast %xor3A_56 : vector<16xi32> to vector<16x1xi32>
    %gather3A_230 = vector.shape_cast %broadcast_in_dim3A_229 : vector<16x1xi32> to vector<16xi32>
    %gather3A_231 = tpu.dynamic_gather %select_n3A_165[%gather3A_230] in [0] : vector<16xf32>, vector<16xi32> -> vector<16xf32>
    %add3A_232 = arith.addf %select_n3A_165, %gather3A_231 : vector<16xf32>
    %broadcast_in_dim3A_233 = vector.shape_cast %xor3A_56 : vector<16xi32> to vector<16x1xi32>
    %gather3A_234 = vector.shape_cast %broadcast_in_dim3A_233 : vector<16x1xi32> to vector<16xi32>
    %gather3A_235 = tpu.dynamic_gather %select_n3A_201[%gather3A_234] in [0] : vector<16xf32>, vector<16xi32> -> vector<16xf32>
    %add3A_236 = arith.addf %select_n3A_201, %gather3A_235 : vector<16xf32>
    %select_n3A_237 = arith.select %eq3A_72, %add3A_232, %add3A_236 : vector<16xi1>, vector<16xf32>
    %broadcast_in_dim3A_238 = vector.shape_cast %xor3A_59 : vector<16xi32> to vector<16x1xi32>
    %gather3A_239 = vector.shape_cast %broadcast_in_dim3A_238 : vector<16x1xi32> to vector<16xi32>
    %gather3A_240 = tpu.dynamic_gather %select_n3A_210[%gather3A_239] in [0] : vector<16xf32>, vector<16xi32> -> vector<16xf32>
    %add3A_241 = arith.addf %select_n3A_210, %gather3A_240 : vector<16xf32>
    %broadcast_in_dim3A_242 = vector.shape_cast %xor3A_59 : vector<16xi32> to vector<16x1xi32>
    %gather3A_243 = vector.shape_cast %broadcast_in_dim3A_242 : vector<16x1xi32> to vector<16xi32>
    %gather3A_244 = tpu.dynamic_gather %select_n3A_228[%gather3A_243] in [0] : vector<16xf32>, vector<16xi32> -> vector<16xf32>
    %add3A_245 = arith.addf %select_n3A_228, %gather3A_244 : vector<16xf32>
    %select_n3A_246 = arith.select %eq3A_78, %add3A_241, %add3A_245 : vector<16xi1>, vector<16xf32>
    %broadcast_in_dim3A_247 = vector.shape_cast %xor3A_59 : vector<16xi32> to vector<16x1xi32>
    %gather3A_248 = vector.shape_cast %broadcast_in_dim3A_247 : vector<16x1xi32> to vector<16xi32>
    %gather3A_249 = tpu.dynamic_gather %select_n3A_219[%gather3A_248] in [0] : vector<16xf32>, vector<16xi32> -> vector<16xf32>
    %add3A_250 = arith.addf %select_n3A_219, %gather3A_249 : vector<16xf32>
    %broadcast_in_dim3A_251 = vector.shape_cast %xor3A_59 : vector<16xi32> to vector<16x1xi32>
    %gather3A_252 = vector.shape_cast %broadcast_in_dim3A_251 : vector<16x1xi32> to vector<16xi32>
    %gather3A_253 = tpu.dynamic_gather %select_n3A_237[%gather3A_252] in [0] : vector<16xf32>, vector<16xi32> -> vector<16xf32>
    %add3A_254 = arith.addf %select_n3A_237, %gather3A_253 : vector<16xf32>
    %select_n3A_255 = arith.select %eq3A_78, %add3A_250, %add3A_254 : vector<16xi1>, vector<16xf32>
    %broadcast_in_dim3A_256 = vector.shape_cast %xor3A_62 : vector<16xi32> to vector<16x1xi32>
    %gather3A_257 = vector.shape_cast %broadcast_in_dim3A_256 : vector<16x1xi32> to vector<16xi32>
    %gather3A_258 = tpu.dynamic_gather %select_n3A_246[%gather3A_257] in [0] : vector<16xf32>, vector<16xi32> -> vector<16xf32>
    %add3A_259 = arith.addf %select_n3A_246, %gather3A_258 : vector<16xf32>
    %broadcast_in_dim3A_260 = vector.shape_cast %xor3A_62 : vector<16xi32> to vector<16x1xi32>
    %gather3A_261 = vector.shape_cast %broadcast_in_dim3A_260 : vector<16x1xi32> to vector<16xi32>
    %gather3A_262 = tpu.dynamic_gather %select_n3A_255[%gather3A_261] in [0] : vector<16xf32>, vector<16xi32> -> vector<16xf32>
    %add3A_263 = arith.addf %select_n3A_255, %gather3A_262 : vector<16xf32>
    %select_n3A_264 = arith.select %eq3A_84, %add3A_259, %add3A_263 : vector<16xi1>, vector<16xf32>
    %add3A_265 = arith.addf %select_n3A_264, %get3A_51 : vector<16xf32>
    %swap3A = arith.constant 0 : index
    %swap3A_266 = tpu.vector_load %arg11[%swap3A] {strides = array<i32>} : memref<64xf32, #tpu.memory_space<vmem>>, vector<16xf32>,
    %swap3A_267 = vector.shape_cast %swap3A_266 : vector<16xf32> to vector<16xf32>
    %swap3A_268 = vector.shape_cast %add3A_265 : vector<16xf32> to vector<16xf32>
    tpu.vector_store %arg11[%swap3A], %swap3A_268 {strides = array<i32>} : memref<64xf32, #tpu.memory_space<vmem>>, vector<16xf32>,
    %dma_wait3A_269 = arith.constant 1 : i32
    %dma_wait3A_270 = arith.constant 1 : i32
    %dma_wait3A_271 = arith.constant 0 : i32
    %dma_wait3A_272 = arith.constant 0 : i32
    %dma_wait3A_273 = tpu.memref_slice %arg8[%dma_wait3A_270, %dma_wait3A_271, %dma_wait3A_272] : memref<4x16x1024xf32, #tpu.memory_space<vmem>> -> memref<1x16x1024xf32, #tpu.memory_space<vmem>>
    %dma_wait3A_274 = tpu.memref_squeeze %dma_wait3A_273 : memref<1x16x1024xf32, #tpu.memory_space<vmem>> -> memref<16x1024xf32, #tpu.memory_space<vmem>>
    %dma_wait3A_275 = arith.constant 0 : i32
    %dma_wait3A_276 = tpu.memref_slice %arg7[%dma_wait3A_269, %dma_wait3A_275] : memref<4x16xi32, #tpu.memory_space<vmem>> -> memref<1x16xi32, #tpu.memory_space<vmem>>
    %dma_wait3A_277 = tpu.memref_squeeze %dma_wait3A_276 : memref<1x16xi32, #tpu.memory_space<vmem>> -> memref<16xi32, #tpu.memory_space<vmem>>
    %dma_wait3A_278 = arith.constant 0 : i32
    %dma_wait3A_279 = arith.constant 0 : i32
    %dma_wait3A_280 = tpu.memref_slice %arg2[%dma_wait3A_278, %dma_wait3A_279] : memref<32768x1024xf32, #tpu.memory_space<hbm>> -> memref<32768x1024xf32, #tpu.memory_space<hbm>>
    tpu.wait_indirect_dma semaphore(%arg13 : memref<!tpu.dma_semaphore, #tpu.memory_space<semaphore_mem>>) src(%dma_wait3A_280 : memref<32768x1024xf32, #tpu.memory_space<hbm>>) dst(%dma_wait3A_274 : memref<16x1024xf32, #tpu.memory_space<vmem>>)
    %broadcast_in_dim3A_281 = arith.constant 0.000000e+00 : f32
    %broadcast_in_dim3A_282 = vector.broadcast %broadcast_in_dim3A_281 : f32 to vector<16xf32>
    %broadcast_in_dim3A_283 = arith.constant 0.000000e+00 : f32
    %broadcast_in_dim3A_284 = vector.broadcast %broadcast_in_dim3A_283 : f32 to vector<16xf32>
    %broadcast_in_dim3A_285 = arith.constant 0.000000e+00 : f32
    %broadcast_in_dim3A_286 = vector.broadcast %broadcast_in_dim3A_285 : f32 to vector<16xf32>
    %broadcast_in_dim3A_287 = arith.constant 0.000000e+00 : f32
    %broadcast_in_dim3A_288 = vector.broadcast %broadcast_in_dim3A_287 : f32 to vector<16xf32>
    %broadcast_in_dim3A_289 = arith.constant 0.000000e+00 : f32
    %broadcast_in_dim3A_290 = vector.broadcast %broadcast_in_dim3A_289 : f32 to vector<16xf32>
    %broadcast_in_dim3A_291 = arith.constant 0.000000e+00 : f32
    %broadcast_in_dim3A_292 = vector.broadcast %broadcast_in_dim3A_291 : f32 to vector<16xf32>
    %broadcast_in_dim3A_293 = arith.constant 0.000000e+00 : f32
    %broadcast_in_dim3A_294 = vector.broadcast %broadcast_in_dim3A_293 : f32 to vector<16xf32>
    %broadcast_in_dim3A_295 = arith.constant 0.000000e+00 : f32
    %broadcast_in_dim3A_296 = vector.broadcast %broadcast_in_dim3A_295 : f32 to vector<16xf32>
    %broadcast_in_dim3A_297 = arith.constant 0.000000e+00 : f32
    %broadcast_in_dim3A_298 = vector.broadcast %broadcast_in_dim3A_297 : f32 to vector<16xf32>
    %broadcast_in_dim3A_299 = arith.constant 0.000000e+00 : f32
    %broadcast_in_dim3A_300 = vector.broadcast %broadcast_in_dim3A_299 : f32 to vector<16xf32>
    %broadcast_in_dim3A_301 = arith.constant 0.000000e+00 : f32
    %broadcast_in_dim3A_302 = vector.broadcast %broadcast_in_dim3A_301 : f32 to vector<16xf32>
    %broadcast_in_dim3A_303 = arith.constant 0.000000e+00 : f32
    %broadcast_in_dim3A_304 = vector.broadcast %broadcast_in_dim3A_303 : f32 to vector<16xf32>
    %broadcast_in_dim3A_305 = arith.constant 0.000000e+00 : f32
    %broadcast_in_dim3A_306 = vector.broadcast %broadcast_in_dim3A_305 : f32 to vector<16xf32>
    %broadcast_in_dim3A_307 = arith.constant 0.000000e+00 : f32
    %broadcast_in_dim3A_308 = vector.broadcast %broadcast_in_dim3A_307 : f32 to vector<16xf32>
    %broadcast_in_dim3A_309 = arith.constant 0.000000e+00 : f32
    %broadcast_in_dim3A_310 = vector.broadcast %broadcast_in_dim3A_309 : f32 to vector<16xf32>
    %broadcast_in_dim3A_311 = arith.constant 0.000000e+00 : f32
    %broadcast_in_dim3A_312 = vector.broadcast %broadcast_in_dim3A_311 : f32 to vector<16xf32>
    %scan3A_313 = arith.constant 0 : i32
    %scan3A_314 = arith.constant 64 : i32
    %scan3A_315 = arith.addi %scan3A_313, %scan3A_314 : i32
    %scan3A_316 = arith.constant 1 : i32
    %scan3A_317:16 = scf.for %scan3A_839 = %scan3A_313 to %scan3A_315 step %scan3A_316 iter_args(%scan3A_840 = %broadcast_in_dim3A_282, %scan3A_841 = %broadcast_in_dim3A_284, %scan3A_842 = %broadcast_in_dim3A_286, %scan3A_843 = %broadcast_in_dim3A_288, %scan3A_844 = %broadcast_in_dim3A_290, %scan3A_845 = %broadcast_in_dim3A_292, %scan3A_846 = %broadcast_in_dim3A_294, %scan3A_847 = %broadcast_in_dim3A_296, %scan3A_848 = %broadcast_in_dim3A_298, %scan3A_849 = %broadcast_in_dim3A_300, %scan3A_850 = %broadcast_in_dim3A_302, %scan3A_851 = %broadcast_in_dim3A_304, %scan3A_852 = %broadcast_in_dim3A_306, %scan3A_853 = %broadcast_in_dim3A_308, %scan3A_854 = %broadcast_in_dim3A_310, %scan3A_855 = %broadcast_in_dim3A_312) -> (vector<16xf32>, vector<16xf32>, vector<16xf32>, vector<16xf32>, vector<16xf32>, vector<16xf32>, vector<16xf32>, vector<16xf32>, vector<16xf32>, vector<16xf32>, vector<16xf32>, vector<16xf32>, vector<16xf32>, vector<16xf32>, vector<16xf32>, vector<16xf32>)  : i32 {
      %mul3A_856 = arith.constant 16 : i32
      %mul3A_857 = arith.muli %scan3A_839, %mul3A_856 : i32
      %get3A_858 = arith.index_cast %mul3A_857 : i32 to index
      %get3A_859 = tpu.vector_load %arg9[%get3A_858] {strides = array<i32>} : memref<1024xf32, #tpu.memory_space<vmem>>, vector<16xf32>,
      %get3A_860 = vector.shape_cast %get3A_859 : vector<16xf32> to vector<16xf32>
      %get3A_861 = arith.constant 1 : i32
      %get3A_862 = arith.constant 0 : i32
      %get3A_863 = arith.index_cast %get3A_861 : i32 to index
      %get3A_864 = arith.index_cast %get3A_862 : i32 to index
      %get3A_865 = arith.index_cast %mul3A_857 : i32 to index
      %get3A_866 = tpu.vector_load %arg8[%get3A_863, %get3A_864, %get3A_865] {strides = array<i32>} : memref<4x16x1024xf32, #tpu.memory_space<vmem>>, vector<1x1x16xf32>,
      %get3A_867 = vector.shape_cast %get3A_866 : vector<1x1x16xf32> to vector<16xf32>
      %mul3A_868 = arith.mulf %get3A_867, %get3A_860 : vector<16xf32>
      %add3A_869 = arith.addf %scan3A_840, %mul3A_868 : vector<16xf32>
      %get3A_870 = arith.constant 1 : i32
      %get3A_871 = arith.constant 1 : i32
      %get3A_872 = arith.index_cast %get3A_870 : i32 to index
      %get3A_873 = arith.index_cast %get3A_871 : i32 to index
      %get3A_874 = arith.index_cast %mul3A_857 : i32 to index
      %get3A_875 = tpu.vector_load %arg8[%get3A_872, %get3A_873, %get3A_874] {strides = array<i32>} : memref<4x16x1024xf32, #tpu.memory_space<vmem>>, vector<1x1x16xf32>,
      %get3A_876 = vector.shape_cast %get3A_875 : vector<1x1x16xf32> to vector<16xf32>
      %mul3A_877 = arith.mulf %get3A_876, %get3A_860 : vector<16xf32>
      %add3A_878 = arith.addf %scan3A_841, %mul3A_877 : vector<16xf32>
      %get3A_879 = arith.constant 1 : i32
      %get3A_880 = arith.constant 2 : i32
      %get3A_881 = arith.index_cast %get3A_879 : i32 to index
      %get3A_882 = arith.index_cast %get3A_880 : i32 to index
      %get3A_883 = arith.index_cast %mul3A_857 : i32 to index
      %get3A_884 = tpu.vector_load %arg8[%get3A_881, %get3A_882, %get3A_883] {strides = array<i32>} : memref<4x16x1024xf32, #tpu.memory_space<vmem>>, vector<1x1x16xf32>,
      %get3A_885 = vector.shape_cast %get3A_884 : vector<1x1x16xf32> to vector<16xf32>
      %mul3A_886 = arith.mulf %get3A_885, %get3A_860 : vector<16xf32>
      %add3A_887 = arith.addf %scan3A_842, %mul3A_886 : vector<16xf32>
      %get3A_888 = arith.constant 1 : i32
      %get3A_889 = arith.constant 3 : i32
      %get3A_890 = arith.index_cast %get3A_888 : i32 to index
      %get3A_891 = arith.index_cast %get3A_889 : i32 to index
      %get3A_892 = arith.index_cast %mul3A_857 : i32 to index
      %get3A_893 = tpu.vector_load %arg8[%get3A_890, %get3A_891, %get3A_892] {strides = array<i32>} : memref<4x16x1024xf32, #tpu.memory_space<vmem>>, vector<1x1x16xf32>,
      %get3A_894 = vector.shape_cast %get3A_893 : vector<1x1x16xf32> to vector<16xf32>
      %mul3A_895 = arith.mulf %get3A_894, %get3A_860 : vector<16xf32>
      %add3A_896 = arith.addf %scan3A_843, %mul3A_895 : vector<16xf32>
      %get3A_897 = arith.constant 1 : i32
      %get3A_898 = arith.constant 4 : i32
      %get3A_899 = arith.index_cast %get3A_897 : i32 to index
      %get3A_900 = arith.index_cast %get3A_898 : i32 to index
      %get3A_901 = arith.index_cast %mul3A_857 : i32 to index
      %get3A_902 = tpu.vector_load %arg8[%get3A_899, %get3A_900, %get3A_901] {strides = array<i32>} : memref<4x16x1024xf32, #tpu.memory_space<vmem>>, vector<1x1x16xf32>,
      %get3A_903 = vector.shape_cast %get3A_902 : vector<1x1x16xf32> to vector<16xf32>
      %mul3A_904 = arith.mulf %get3A_903, %get3A_860 : vector<16xf32>
      %add3A_905 = arith.addf %scan3A_844, %mul3A_904 : vector<16xf32>
      %get3A_906 = arith.constant 1 : i32
      %get3A_907 = arith.constant 5 : i32
      %get3A_908 = arith.index_cast %get3A_906 : i32 to index
      %get3A_909 = arith.index_cast %get3A_907 : i32 to index
      %get3A_910 = arith.index_cast %mul3A_857 : i32 to index
      %get3A_911 = tpu.vector_load %arg8[%get3A_908, %get3A_909, %get3A_910] {strides = array<i32>} : memref<4x16x1024xf32, #tpu.memory_space<vmem>>, vector<1x1x16xf32>,
      %get3A_912 = vector.shape_cast %get3A_911 : vector<1x1x16xf32> to vector<16xf32>
      %mul3A_913 = arith.mulf %get3A_912, %get3A_860 : vector<16xf32>
      %add3A_914 = arith.addf %scan3A_845, %mul3A_913 : vector<16xf32>
      %get3A_915 = arith.constant 1 : i32
      %get3A_916 = arith.constant 6 : i32
      %get3A_917 = arith.index_cast %get3A_915 : i32 to index
      %get3A_918 = arith.index_cast %get3A_916 : i32 to index
      %get3A_919 = arith.index_cast %mul3A_857 : i32 to index
      %get3A_920 = tpu.vector_load %arg8[%get3A_917, %get3A_918, %get3A_919] {strides = array<i32>} : memref<4x16x1024xf32, #tpu.memory_space<vmem>>, vector<1x1x16xf32>,
      %get3A_921 = vector.shape_cast %get3A_920 : vector<1x1x16xf32> to vector<16xf32>
      %mul3A_922 = arith.mulf %get3A_921, %get3A_860 : vector<16xf32>
      %add3A_923 = arith.addf %scan3A_846, %mul3A_922 : vector<16xf32>
      %get3A_924 = arith.constant 1 : i32
      %get3A_925 = arith.constant 7 : i32
      %get3A_926 = arith.index_cast %get3A_924 : i32 to index
      %get3A_927 = arith.index_cast %get3A_925 : i32 to index
      %get3A_928 = arith.index_cast %mul3A_857 : i32 to index
      %get3A_929 = tpu.vector_load %arg8[%get3A_926, %get3A_927, %get3A_928] {strides = array<i32>} : memref<4x16x1024xf32, #tpu.memory_space<vmem>>, vector<1x1x16xf32>,
      %get3A_930 = vector.shape_cast %get3A_929 : vector<1x1x16xf32> to vector<16xf32>
      %mul3A_931 = arith.mulf %get3A_930, %get3A_860 : vector<16xf32>
      %add3A_932 = arith.addf %scan3A_847, %mul3A_931 : vector<16xf32>
      %get3A_933 = arith.constant 1 : i32
      %get3A_934 = arith.constant 8 : i32
      %get3A_935 = arith.index_cast %get3A_933 : i32 to index
      %get3A_936 = arith.index_cast %get3A_934 : i32 to index
      %get3A_937 = arith.index_cast %mul3A_857 : i32 to index
      %get3A_938 = tpu.vector_load %arg8[%get3A_935, %get3A_936, %get3A_937] {strides = array<i32>} : memref<4x16x1024xf32, #tpu.memory_space<vmem>>, vector<1x1x16xf32>,
      %get3A_939 = vector.shape_cast %get3A_938 : vector<1x1x16xf32> to vector<16xf32>
      %mul3A_940 = arith.mulf %get3A_939, %get3A_860 : vector<16xf32>
      %add3A_941 = arith.addf %scan3A_848, %mul3A_940 : vector<16xf32>
      %get3A_942 = arith.constant 1 : i32
      %get3A_943 = arith.constant 9 : i32
      %get3A_944 = arith.index_cast %get3A_942 : i32 to index
      %get3A_945 = arith.index_cast %get3A_943 : i32 to index
      %get3A_946 = arith.index_cast %mul3A_857 : i32 to index
      %get3A_947 = tpu.vector_load %arg8[%get3A_944, %get3A_945, %get3A_946] {strides = array<i32>} : memref<4x16x1024xf32, #tpu.memory_space<vmem>>, vector<1x1x16xf32>,
      %get3A_948 = vector.shape_cast %get3A_947 : vector<1x1x16xf32> to vector<16xf32>
      %mul3A_949 = arith.mulf %get3A_948, %get3A_860 : vector<16xf32>
      %add3A_950 = arith.addf %scan3A_849, %mul3A_949 : vector<16xf32>
      %get3A_951 = arith.constant 1 : i32
      %get3A_952 = arith.constant 10 : i32
      %get3A_953 = arith.index_cast %get3A_951 : i32 to index
      %get3A_954 = arith.index_cast %get3A_952 : i32 to index
      %get3A_955 = arith.index_cast %mul3A_857 : i32 to index
      %get3A_956 = tpu.vector_load %arg8[%get3A_953, %get3A_954, %get3A_955] {strides = array<i32>} : memref<4x16x1024xf32, #tpu.memory_space<vmem>>, vector<1x1x16xf32>,
      %get3A_957 = vector.shape_cast %get3A_956 : vector<1x1x16xf32> to vector<16xf32>
      %mul3A_958 = arith.mulf %get3A_957, %get3A_860 : vector<16xf32>
      %add3A_959 = arith.addf %scan3A_850, %mul3A_958 : vector<16xf32>
      %get3A_960 = arith.constant 1 : i32
      %get3A_961 = arith.constant 11 : i32
      %get3A_962 = arith.index_cast %get3A_960 : i32 to index
      %get3A_963 = arith.index_cast %get3A_961 : i32 to index
      %get3A_964 = arith.index_cast %mul3A_857 : i32 to index
      %get3A_965 = tpu.vector_load %arg8[%get3A_962, %get3A_963, %get3A_964] {strides = array<i32>} : memref<4x16x1024xf32, #tpu.memory_space<vmem>>, vector<1x1x16xf32>,
      %get3A_966 = vector.shape_cast %get3A_965 : vector<1x1x16xf32> to vector<16xf32>
      %mul3A_967 = arith.mulf %get3A_966, %get3A_860 : vector<16xf32>
      %add3A_968 = arith.addf %scan3A_851, %mul3A_967 : vector<16xf32>
      %get3A_969 = arith.constant 1 : i32
      %get3A_970 = arith.constant 12 : i32
      %get3A_971 = arith.index_cast %get3A_969 : i32 to index
      %get3A_972 = arith.index_cast %get3A_970 : i32 to index
      %get3A_973 = arith.index_cast %mul3A_857 : i32 to index
      %get3A_974 = tpu.vector_load %arg8[%get3A_971, %get3A_972, %get3A_973] {strides = array<i32>} : memref<4x16x1024xf32, #tpu.memory_space<vmem>>, vector<1x1x16xf32>,
      %get3A_975 = vector.shape_cast %get3A_974 : vector<1x1x16xf32> to vector<16xf32>
      %mul3A_976 = arith.mulf %get3A_975, %get3A_860 : vector<16xf32>
      %add3A_977 = arith.addf %scan3A_852, %mul3A_976 : vector<16xf32>
      %get3A_978 = arith.constant 1 : i32
      %get3A_979 = arith.constant 13 : i32
      %get3A_980 = arith.index_cast %get3A_978 : i32 to index
      %get3A_981 = arith.index_cast %get3A_979 : i32 to index
      %get3A_982 = arith.index_cast %mul3A_857 : i32 to index
      %get3A_983 = tpu.vector_load %arg8[%get3A_980, %get3A_981, %get3A_982] {strides = array<i32>} : memref<4x16x1024xf32, #tpu.memory_space<vmem>>, vector<1x1x16xf32>,
      %get3A_984 = vector.shape_cast %get3A_983 : vector<1x1x16xf32> to vector<16xf32>
      %mul3A_985 = arith.mulf %get3A_984, %get3A_860 : vector<16xf32>
      %add3A_986 = arith.addf %scan3A_853, %mul3A_985 : vector<16xf32>
      %get3A_987 = arith.constant 1 : i32
      %get3A_988 = arith.constant 14 : i32
      %get3A_989 = arith.index_cast %get3A_987 : i32 to index
      %get3A_990 = arith.index_cast %get3A_988 : i32 to index
      %get3A_991 = arith.index_cast %mul3A_857 : i32 to index
      %get3A_992 = tpu.vector_load %arg8[%get3A_989, %get3A_990, %get3A_991] {strides = array<i32>} : memref<4x16x1024xf32, #tpu.memory_space<vmem>>, vector<1x1x16xf32>,
      %get3A_993 = vector.shape_cast %get3A_992 : vector<1x1x16xf32> to vector<16xf32>
      %mul3A_994 = arith.mulf %get3A_993, %get3A_860 : vector<16xf32>
      %add3A_995 = arith.addf %scan3A_854, %mul3A_994 : vector<16xf32>
      %get3A_996 = arith.constant 1 : i32
      %get3A_997 = arith.constant 15 : i32
      %get3A_998 = arith.index_cast %get3A_996 : i32 to index
      %get3A_999 = arith.index_cast %get3A_997 : i32 to index
      %get3A_1000 = arith.index_cast %mul3A_857 : i32 to index
      %get3A_1001 = tpu.vector_load %arg8[%get3A_998, %get3A_999, %get3A_1000] {strides = array<i32>} : memref<4x16x1024xf32, #tpu.memory_space<vmem>>, vector<1x1x16xf32>,
      %get3A_1002 = vector.shape_cast %get3A_1001 : vector<1x1x16xf32> to vector<16xf32>
      %mul3A_1003 = arith.mulf %get3A_1002, %get3A_860 : vector<16xf32>
      %add3A_1004 = arith.addf %scan3A_855, %mul3A_1003 : vector<16xf32>
      scf.yield %add3A_869, %add3A_878, %add3A_887, %add3A_896, %add3A_905, %add3A_914, %add3A_923, %add3A_932, %add3A_941, %add3A_950, %add3A_959, %add3A_968, %add3A_977, %add3A_986, %add3A_995, %add3A_1004 : vector<16xf32>, vector<16xf32>, vector<16xf32>, vector<16xf32>, vector<16xf32>, vector<16xf32>, vector<16xf32>, vector<16xf32>, vector<16xf32>, vector<16xf32>, vector<16xf32>, vector<16xf32>, vector<16xf32>, vector<16xf32>, vector<16xf32>, vector<16xf32>
    }
    %scan3A_318 = arith.constant 64 : i32
    %broadcast_in_dim3A_319 = vector.shape_cast %xor3A_53 : vector<16xi32> to vector<16x1xi32>
    %gather3A_320 = vector.shape_cast %broadcast_in_dim3A_319 : vector<16x1xi32> to vector<16xi32>
    %gather3A_321 = tpu.dynamic_gather %scan3A_317#0[%gather3A_320] in [0] : vector<16xf32>, vector<16xi32> -> vector<16xf32>
    %add3A_322 = arith.addf %scan3A_317#0, %gather3A_321 : vector<16xf32>
    %broadcast_in_dim3A_323 = vector.shape_cast %xor3A_53 : vector<16xi32> to vector<16x1xi32>
    %gather3A_324 = vector.shape_cast %broadcast_in_dim3A_323 : vector<16x1xi32> to vector<16xi32>
    %gather3A_325 = tpu.dynamic_gather %scan3A_317#8[%gather3A_324] in [0] : vector<16xf32>, vector<16xi32> -> vector<16xf32>
    %add3A_326 = arith.addf %scan3A_317#8, %gather3A_325 : vector<16xf32>
    %select_n3A_327 = arith.select %eq3A_66, %add3A_322, %add3A_326 : vector<16xi1>, vector<16xf32>
    %broadcast_in_dim3A_328 = vector.shape_cast %xor3A_53 : vector<16xi32> to vector<16x1xi32>
    %gather3A_329 = vector.shape_cast %broadcast_in_dim3A_328 : vector<16x1xi32> to vector<16xi32>
    %gather3A_330 = tpu.dynamic_gather %scan3A_317#1[%gather3A_329] in [0] : vector<16xf32>, vector<16xi32> -> vector<16xf32>
    %add3A_331 = arith.addf %scan3A_317#1, %gather3A_330 : vector<16xf32>
    %broadcast_in_dim3A_332 = vector.shape_cast %xor3A_53 : vector<16xi32> to vector<16x1xi32>
    %gather3A_333 = vector.shape_cast %broadcast_in_dim3A_332 : vector<16x1xi32> to vector<16xi32>
    %gather3A_334 = tpu.dynamic_gather %scan3A_317#9[%gather3A_333] in [0] : vector<16xf32>, vector<16xi32> -> vector<16xf32>
    %add3A_335 = arith.addf %scan3A_317#9, %gather3A_334 : vector<16xf32>
    %select_n3A_336 = arith.select %eq3A_66, %add3A_331, %add3A_335 : vector<16xi1>, vector<16xf32>
    %broadcast_in_dim3A_337 = vector.shape_cast %xor3A_53 : vector<16xi32> to vector<16x1xi32>
    %gather3A_338 = vector.shape_cast %broadcast_in_dim3A_337 : vector<16x1xi32> to vector<16xi32>
    %gather3A_339 = tpu.dynamic_gather %scan3A_317#2[%gather3A_338] in [0] : vector<16xf32>, vector<16xi32> -> vector<16xf32>
    %add3A_340 = arith.addf %scan3A_317#2, %gather3A_339 : vector<16xf32>
    %broadcast_in_dim3A_341 = vector.shape_cast %xor3A_53 : vector<16xi32> to vector<16x1xi32>
    %gather3A_342 = vector.shape_cast %broadcast_in_dim3A_341 : vector<16x1xi32> to vector<16xi32>
    %gather3A_343 = tpu.dynamic_gather %scan3A_317#10[%gather3A_342] in [0] : vector<16xf32>, vector<16xi32> -> vector<16xf32>
    %add3A_344 = arith.addf %scan3A_317#10, %gather3A_343 : vector<16xf32>
    %select_n3A_345 = arith.select %eq3A_66, %add3A_340, %add3A_344 : vector<16xi1>, vector<16xf32>
    %broadcast_in_dim3A_346 = vector.shape_cast %xor3A_53 : vector<16xi32> to vector<16x1xi32>
    %gather3A_347 = vector.shape_cast %broadcast_in_dim3A_346 : vector<16x1xi32> to vector<16xi32>
    %gather3A_348 = tpu.dynamic_gather %scan3A_317#3[%gather3A_347] in [0] : vector<16xf32>, vector<16xi32> -> vector<16xf32>
    %add3A_349 = arith.addf %scan3A_317#3, %gather3A_348 : vector<16xf32>
    %broadcast_in_dim3A_350 = vector.shape_cast %xor3A_53 : vector<16xi32> to vector<16x1xi32>
    %gather3A_351 = vector.shape_cast %broadcast_in_dim3A_350 : vector<16x1xi32> to vector<16xi32>
    %gather3A_352 = tpu.dynamic_gather %scan3A_317#11[%gather3A_351] in [0] : vector<16xf32>, vector<16xi32> -> vector<16xf32>
    %add3A_353 = arith.addf %scan3A_317#11, %gather3A_352 : vector<16xf32>
    %select_n3A_354 = arith.select %eq3A_66, %add3A_349, %add3A_353 : vector<16xi1>, vector<16xf32>
    %broadcast_in_dim3A_355 = vector.shape_cast %xor3A_53 : vector<16xi32> to vector<16x1xi32>
    %gather3A_356 = vector.shape_cast %broadcast_in_dim3A_355 : vector<16x1xi32> to vector<16xi32>
    %gather3A_357 = tpu.dynamic_gather %scan3A_317#4[%gather3A_356] in [0] : vector<16xf32>, vector<16xi32> -> vector<16xf32>
    %add3A_358 = arith.addf %scan3A_317#4, %gather3A_357 : vector<16xf32>
    %broadcast_in_dim3A_359 = vector.shape_cast %xor3A_53 : vector<16xi32> to vector<16x1xi32>
    %gather3A_360 = vector.shape_cast %broadcast_in_dim3A_359 : vector<16x1xi32> to vector<16xi32>
    %gather3A_361 = tpu.dynamic_gather %scan3A_317#12[%gather3A_360] in [0] : vector<16xf32>, vector<16xi32> -> vector<16xf32>
    %add3A_362 = arith.addf %scan3A_317#12, %gather3A_361 : vector<16xf32>
    %select_n3A_363 = arith.select %eq3A_66, %add3A_358, %add3A_362 : vector<16xi1>, vector<16xf32>
    %broadcast_in_dim3A_364 = vector.shape_cast %xor3A_53 : vector<16xi32> to vector<16x1xi32>
    %gather3A_365 = vector.shape_cast %broadcast_in_dim3A_364 : vector<16x1xi32> to vector<16xi32>
    %gather3A_366 = tpu.dynamic_gather %scan3A_317#5[%gather3A_365] in [0] : vector<16xf32>, vector<16xi32> -> vector<16xf32>
    %add3A_367 = arith.addf %scan3A_317#5, %gather3A_366 : vector<16xf32>
    %broadcast_in_dim3A_368 = vector.shape_cast %xor3A_53 : vector<16xi32> to vector<16x1xi32>
    %gather3A_369 = vector.shape_cast %broadcast_in_dim3A_368 : vector<16x1xi32> to vector<16xi32>
    %gather3A_370 = tpu.dynamic_gather %scan3A_317#13[%gather3A_369] in [0] : vector<16xf32>, vector<16xi32> -> vector<16xf32>
    %add3A_371 = arith.addf %scan3A_317#13, %gather3A_370 : vector<16xf32>
    %select_n3A_372 = arith.select %eq3A_66, %add3A_367, %add3A_371 : vector<16xi1>, vector<16xf32>
    %broadcast_in_dim3A_373 = vector.shape_cast %xor3A_53 : vector<16xi32> to vector<16x1xi32>
    %gather3A_374 = vector.shape_cast %broadcast_in_dim3A_373 : vector<16x1xi32> to vector<16xi32>
    %gather3A_375 = tpu.dynamic_gather %scan3A_317#6[%gather3A_374] in [0] : vector<16xf32>, vector<16xi32> -> vector<16xf32>
    %add3A_376 = arith.addf %scan3A_317#6, %gather3A_375 : vector<16xf32>
    %broadcast_in_dim3A_377 = vector.shape_cast %xor3A_53 : vector<16xi32> to vector<16x1xi32>
    %gather3A_378 = vector.shape_cast %broadcast_in_dim3A_377 : vector<16x1xi32> to vector<16xi32>
    %gather3A_379 = tpu.dynamic_gather %scan3A_317#14[%gather3A_378] in [0] : vector<16xf32>, vector<16xi32> -> vector<16xf32>
    %add3A_380 = arith.addf %scan3A_317#14, %gather3A_379 : vector<16xf32>
    %select_n3A_381 = arith.select %eq3A_66, %add3A_376, %add3A_380 : vector<16xi1>, vector<16xf32>
    %broadcast_in_dim3A_382 = vector.shape_cast %xor3A_53 : vector<16xi32> to vector<16x1xi32>
    %gather3A_383 = vector.shape_cast %broadcast_in_dim3A_382 : vector<16x1xi32> to vector<16xi32>
    %gather3A_384 = tpu.dynamic_gather %scan3A_317#7[%gather3A_383] in [0] : vector<16xf32>, vector<16xi32> -> vector<16xf32>
    %add3A_385 = arith.addf %scan3A_317#7, %gather3A_384 : vector<16xf32>
    %broadcast_in_dim3A_386 = vector.shape_cast %xor3A_53 : vector<16xi32> to vector<16x1xi32>
    %gather3A_387 = vector.shape_cast %broadcast_in_dim3A_386 : vector<16x1xi32> to vector<16xi32>
    %gather3A_388 = tpu.dynamic_gather %scan3A_317#15[%gather3A_387] in [0] : vector<16xf32>, vector<16xi32> -> vector<16xf32>
    %add3A_389 = arith.addf %scan3A_317#15, %gather3A_388 : vector<16xf32>
    %select_n3A_390 = arith.select %eq3A_66, %add3A_385, %add3A_389 : vector<16xi1>, vector<16xf32>
    %broadcast_in_dim3A_391 = vector.shape_cast %xor3A_56 : vector<16xi32> to vector<16x1xi32>
    %gather3A_392 = vector.shape_cast %broadcast_in_dim3A_391 : vector<16x1xi32> to vector<16xi32>
    %gather3A_393 = tpu.dynamic_gather %select_n3A_327[%gather3A_392] in [0] : vector<16xf32>, vector<16xi32> -> vector<16xf32>
    %add3A_394 = arith.addf %select_n3A_327, %gather3A_393 : vector<16xf32>
    %broadcast_in_dim3A_395 = vector.shape_cast %xor3A_56 : vector<16xi32> to vector<16x1xi32>
    %gather3A_396 = vector.shape_cast %broadcast_in_dim3A_395 : vector<16x1xi32> to vector<16xi32>
    %gather3A_397 = tpu.dynamic_gather %select_n3A_363[%gather3A_396] in [0] : vector<16xf32>, vector<16xi32> -> vector<16xf32>
    %add3A_398 = arith.addf %select_n3A_363, %gather3A_397 : vector<16xf32>
    %select_n3A_399 = arith.select %eq3A_72, %add3A_394, %add3A_398 : vector<16xi1>, vector<16xf32>
    %broadcast_in_dim3A_400 = vector.shape_cast %xor3A_56 : vector<16xi32> to vector<16x1xi32>
    %gather3A_401 = vector.shape_cast %broadcast_in_dim3A_400 : vector<16x1xi32> to vector<16xi32>
    %gather3A_402 = tpu.dynamic_gather %select_n3A_336[%gather3A_401] in [0] : vector<16xf32>, vector<16xi32> -> vector<16xf32>
    %add3A_403 = arith.addf %select_n3A_336, %gather3A_402 : vector<16xf32>
    %broadcast_in_dim3A_404 = vector.shape_cast %xor3A_56 : vector<16xi32> to vector<16x1xi32>
    %gather3A_405 = vector.shape_cast %broadcast_in_dim3A_404 : vector<16x1xi32> to vector<16xi32>
    %gather3A_406 = tpu.dynamic_gather %select_n3A_372[%gather3A_405] in [0] : vector<16xf32>, vector<16xi32> -> vector<16xf32>
    %add3A_407 = arith.addf %select_n3A_372, %gather3A_406 : vector<16xf32>
    %select_n3A_408 = arith.select %eq3A_72, %add3A_403, %add3A_407 : vector<16xi1>, vector<16xf32>
    %broadcast_in_dim3A_409 = vector.shape_cast %xor3A_56 : vector<16xi32> to vector<16x1xi32>
    %gather3A_410 = vector.shape_cast %broadcast_in_dim3A_409 : vector<16x1xi32> to vector<16xi32>
    %gather3A_411 = tpu.dynamic_gather %select_n3A_345[%gather3A_410] in [0] : vector<16xf32>, vector<16xi32> -> vector<16xf32>
    %add3A_412 = arith.addf %select_n3A_345, %gather3A_411 : vector<16xf32>
    %broadcast_in_dim3A_413 = vector.shape_cast %xor3A_56 : vector<16xi32> to vector<16x1xi32>
    %gather3A_414 = vector.shape_cast %broadcast_in_dim3A_413 : vector<16x1xi32> to vector<16xi32>
    %gather3A_415 = tpu.dynamic_gather %select_n3A_381[%gather3A_414] in [0] : vector<16xf32>, vector<16xi32> -> vector<16xf32>
    %add3A_416 = arith.addf %select_n3A_381, %gather3A_415 : vector<16xf32>
    %select_n3A_417 = arith.select %eq3A_72, %add3A_412, %add3A_416 : vector<16xi1>, vector<16xf32>
    %broadcast_in_dim3A_418 = vector.shape_cast %xor3A_56 : vector<16xi32> to vector<16x1xi32>
    %gather3A_419 = vector.shape_cast %broadcast_in_dim3A_418 : vector<16x1xi32> to vector<16xi32>
    %gather3A_420 = tpu.dynamic_gather %select_n3A_354[%gather3A_419] in [0] : vector<16xf32>, vector<16xi32> -> vector<16xf32>
    %add3A_421 = arith.addf %select_n3A_354, %gather3A_420 : vector<16xf32>
    %broadcast_in_dim3A_422 = vector.shape_cast %xor3A_56 : vector<16xi32> to vector<16x1xi32>
    %gather3A_423 = vector.shape_cast %broadcast_in_dim3A_422 : vector<16x1xi32> to vector<16xi32>
    %gather3A_424 = tpu.dynamic_gather %select_n3A_390[%gather3A_423] in [0] : vector<16xf32>, vector<16xi32> -> vector<16xf32>
    %add3A_425 = arith.addf %select_n3A_390, %gather3A_424 : vector<16xf32>
    %select_n3A_426 = arith.select %eq3A_72, %add3A_421, %add3A_425 : vector<16xi1>, vector<16xf32>
    %broadcast_in_dim3A_427 = vector.shape_cast %xor3A_59 : vector<16xi32> to vector<16x1xi32>
    %gather3A_428 = vector.shape_cast %broadcast_in_dim3A_427 : vector<16x1xi32> to vector<16xi32>
    %gather3A_429 = tpu.dynamic_gather %select_n3A_399[%gather3A_428] in [0] : vector<16xf32>, vector<16xi32> -> vector<16xf32>
    %add3A_430 = arith.addf %select_n3A_399, %gather3A_429 : vector<16xf32>
    %broadcast_in_dim3A_431 = vector.shape_cast %xor3A_59 : vector<16xi32> to vector<16x1xi32>
    %gather3A_432 = vector.shape_cast %broadcast_in_dim3A_431 : vector<16x1xi32> to vector<16xi32>
    %gather3A_433 = tpu.dynamic_gather %select_n3A_417[%gather3A_432] in [0] : vector<16xf32>, vector<16xi32> -> vector<16xf32>
    %add3A_434 = arith.addf %select_n3A_417, %gather3A_433 : vector<16xf32>
    %select_n3A_435 = arith.select %eq3A_78, %add3A_430, %add3A_434 : vector<16xi1>, vector<16xf32>
    %broadcast_in_dim3A_436 = vector.shape_cast %xor3A_59 : vector<16xi32> to vector<16x1xi32>
    %gather3A_437 = vector.shape_cast %broadcast_in_dim3A_436 : vector<16x1xi32> to vector<16xi32>
    %gather3A_438 = tpu.dynamic_gather %select_n3A_408[%gather3A_437] in [0] : vector<16xf32>, vector<16xi32> -> vector<16xf32>
    %add3A_439 = arith.addf %select_n3A_408, %gather3A_438 : vector<16xf32>
    %broadcast_in_dim3A_440 = vector.shape_cast %xor3A_59 : vector<16xi32> to vector<16x1xi32>
    %gather3A_441 = vector.shape_cast %broadcast_in_dim3A_440 : vector<16x1xi32> to vector<16xi32>
    %gather3A_442 = tpu.dynamic_gather %select_n3A_426[%gather3A_441] in [0] : vector<16xf32>, vector<16xi32> -> vector<16xf32>
    %add3A_443 = arith.addf %select_n3A_426, %gather3A_442 : vector<16xf32>
    %select_n3A_444 = arith.select %eq3A_78, %add3A_439, %add3A_443 : vector<16xi1>, vector<16xf32>
    %broadcast_in_dim3A_445 = vector.shape_cast %xor3A_62 : vector<16xi32> to vector<16x1xi32>
    %gather3A_446 = vector.shape_cast %broadcast_in_dim3A_445 : vector<16x1xi32> to vector<16xi32>
    %gather3A_447 = tpu.dynamic_gather %select_n3A_435[%gather3A_446] in [0] : vector<16xf32>, vector<16xi32> -> vector<16xf32>
    %add3A_448 = arith.addf %select_n3A_435, %gather3A_447 : vector<16xf32>
    %broadcast_in_dim3A_449 = vector.shape_cast %xor3A_62 : vector<16xi32> to vector<16x1xi32>
    %gather3A_450 = vector.shape_cast %broadcast_in_dim3A_449 : vector<16x1xi32> to vector<16xi32>
    %gather3A_451 = tpu.dynamic_gather %select_n3A_444[%gather3A_450] in [0] : vector<16xf32>, vector<16xi32> -> vector<16xf32>
    %add3A_452 = arith.addf %select_n3A_444, %gather3A_451 : vector<16xf32>
    %select_n3A_453 = arith.select %eq3A_84, %add3A_448, %add3A_452 : vector<16xi1>, vector<16xf32>
    %add3A_454 = arith.addf %select_n3A_453, %get3A_51 : vector<16xf32>
    %swap3A_455 = arith.constant 16 : index
    %swap3A_456 = tpu.vector_load %arg11[%swap3A_455] {strides = array<i32>} : memref<64xf32, #tpu.memory_space<vmem>>, vector<16xf32>,
    %swap3A_457 = vector.shape_cast %swap3A_456 : vector<16xf32> to vector<16xf32>
    %swap3A_458 = vector.shape_cast %add3A_454 : vector<16xf32> to vector<16xf32>
    tpu.vector_store %arg11[%swap3A_455], %swap3A_458 {strides = array<i32>} : memref<64xf32, #tpu.memory_space<vmem>>, vector<16xf32>,
    %dma_wait3A_459 = arith.constant 2 : i32
    %dma_wait3A_460 = arith.constant 2 : i32
    %dma_wait3A_461 = arith.constant 0 : i32
    %dma_wait3A_462 = arith.constant 0 : i32
    %dma_wait3A_463 = tpu.memref_slice %arg8[%dma_wait3A_460, %dma_wait3A_461, %dma_wait3A_462] : memref<4x16x1024xf32, #tpu.memory_space<vmem>> -> memref<1x16x1024xf32, #tpu.memory_space<vmem>>
    %dma_wait3A_464 = tpu.memref_squeeze %dma_wait3A_463 : memref<1x16x1024xf32, #tpu.memory_space<vmem>> -> memref<16x1024xf32, #tpu.memory_space<vmem>>
    %dma_wait3A_465 = arith.constant 0 : i32
    %dma_wait3A_466 = tpu.memref_slice %arg7[%dma_wait3A_459, %dma_wait3A_465] : memref<4x16xi32, #tpu.memory_space<vmem>> -> memref<1x16xi32, #tpu.memory_space<vmem>>
    %dma_wait3A_467 = tpu.memref_squeeze %dma_wait3A_466 : memref<1x16xi32, #tpu.memory_space<vmem>> -> memref<16xi32, #tpu.memory_space<vmem>>
    %dma_wait3A_468 = arith.constant 0 : i32
    %dma_wait3A_469 = arith.constant 0 : i32
    %dma_wait3A_470 = tpu.memref_slice %arg2[%dma_wait3A_468, %dma_wait3A_469] : memref<32768x1024xf32, #tpu.memory_space<hbm>> -> memref<32768x1024xf32, #tpu.memory_space<hbm>>
    tpu.wait_indirect_dma semaphore(%arg14 : memref<!tpu.dma_semaphore, #tpu.memory_space<semaphore_mem>>) src(%dma_wait3A_470 : memref<32768x1024xf32, #tpu.memory_space<hbm>>) dst(%dma_wait3A_464 : memref<16x1024xf32, #tpu.memory_space<vmem>>)
    %broadcast_in_dim3A_471 = arith.constant 0.000000e+00 : f32
    %broadcast_in_dim3A_472 = vector.broadcast %broadcast_in_dim3A_471 : f32 to vector<16xf32>
    %broadcast_in_dim3A_473 = arith.constant 0.000000e+00 : f32
    %broadcast_in_dim3A_474 = vector.broadcast %broadcast_in_dim3A_473 : f32 to vector<16xf32>
    %broadcast_in_dim3A_475 = arith.constant 0.000000e+00 : f32
    %broadcast_in_dim3A_476 = vector.broadcast %broadcast_in_dim3A_475 : f32 to vector<16xf32>
    %broadcast_in_dim3A_477 = arith.constant 0.000000e+00 : f32
    %broadcast_in_dim3A_478 = vector.broadcast %broadcast_in_dim3A_477 : f32 to vector<16xf32>
    %broadcast_in_dim3A_479 = arith.constant 0.000000e+00 : f32
    %broadcast_in_dim3A_480 = vector.broadcast %broadcast_in_dim3A_479 : f32 to vector<16xf32>
    %broadcast_in_dim3A_481 = arith.constant 0.000000e+00 : f32
    %broadcast_in_dim3A_482 = vector.broadcast %broadcast_in_dim3A_481 : f32 to vector<16xf32>
    %broadcast_in_dim3A_483 = arith.constant 0.000000e+00 : f32
    %broadcast_in_dim3A_484 = vector.broadcast %broadcast_in_dim3A_483 : f32 to vector<16xf32>
    %broadcast_in_dim3A_485 = arith.constant 0.000000e+00 : f32
    %broadcast_in_dim3A_486 = vector.broadcast %broadcast_in_dim3A_485 : f32 to vector<16xf32>
    %broadcast_in_dim3A_487 = arith.constant 0.000000e+00 : f32
    %broadcast_in_dim3A_488 = vector.broadcast %broadcast_in_dim3A_487 : f32 to vector<16xf32>
    %broadcast_in_dim3A_489 = arith.constant 0.000000e+00 : f32
    %broadcast_in_dim3A_490 = vector.broadcast %broadcast_in_dim3A_489 : f32 to vector<16xf32>
    %broadcast_in_dim3A_491 = arith.constant 0.000000e+00 : f32
    %broadcast_in_dim3A_492 = vector.broadcast %broadcast_in_dim3A_491 : f32 to vector<16xf32>
    %broadcast_in_dim3A_493 = arith.constant 0.000000e+00 : f32
    %broadcast_in_dim3A_494 = vector.broadcast %broadcast_in_dim3A_493 : f32 to vector<16xf32>
    %broadcast_in_dim3A_495 = arith.constant 0.000000e+00 : f32
    %broadcast_in_dim3A_496 = vector.broadcast %broadcast_in_dim3A_495 : f32 to vector<16xf32>
    %broadcast_in_dim3A_497 = arith.constant 0.000000e+00 : f32
    %broadcast_in_dim3A_498 = vector.broadcast %broadcast_in_dim3A_497 : f32 to vector<16xf32>
    %broadcast_in_dim3A_499 = arith.constant 0.000000e+00 : f32
    %broadcast_in_dim3A_500 = vector.broadcast %broadcast_in_dim3A_499 : f32 to vector<16xf32>
    %broadcast_in_dim3A_501 = arith.constant 0.000000e+00 : f32
    %broadcast_in_dim3A_502 = vector.broadcast %broadcast_in_dim3A_501 : f32 to vector<16xf32>
    %scan3A_503 = arith.constant 0 : i32
    %scan3A_504 = arith.constant 64 : i32
    %scan3A_505 = arith.addi %scan3A_503, %scan3A_504 : i32
    %scan3A_506 = arith.constant 1 : i32
    %scan3A_507:16 = scf.for %scan3A_839 = %scan3A_503 to %scan3A_505 step %scan3A_506 iter_args(%scan3A_840 = %broadcast_in_dim3A_472, %scan3A_841 = %broadcast_in_dim3A_474, %scan3A_842 = %broadcast_in_dim3A_476, %scan3A_843 = %broadcast_in_dim3A_478, %scan3A_844 = %broadcast_in_dim3A_480, %scan3A_845 = %broadcast_in_dim3A_482, %scan3A_846 = %broadcast_in_dim3A_484, %scan3A_847 = %broadcast_in_dim3A_486, %scan3A_848 = %broadcast_in_dim3A_488, %scan3A_849 = %broadcast_in_dim3A_490, %scan3A_850 = %broadcast_in_dim3A_492, %scan3A_851 = %broadcast_in_dim3A_494, %scan3A_852 = %broadcast_in_dim3A_496, %scan3A_853 = %broadcast_in_dim3A_498, %scan3A_854 = %broadcast_in_dim3A_500, %scan3A_855 = %broadcast_in_dim3A_502) -> (vector<16xf32>, vector<16xf32>, vector<16xf32>, vector<16xf32>, vector<16xf32>, vector<16xf32>, vector<16xf32>, vector<16xf32>, vector<16xf32>, vector<16xf32>, vector<16xf32>, vector<16xf32>, vector<16xf32>, vector<16xf32>, vector<16xf32>, vector<16xf32>)  : i32 {
      %mul3A_856 = arith.constant 16 : i32
      %mul3A_857 = arith.muli %scan3A_839, %mul3A_856 : i32
      %get3A_858 = arith.index_cast %mul3A_857 : i32 to index
      %get3A_859 = tpu.vector_load %arg9[%get3A_858] {strides = array<i32>} : memref<1024xf32, #tpu.memory_space<vmem>>, vector<16xf32>,
      %get3A_860 = vector.shape_cast %get3A_859 : vector<16xf32> to vector<16xf32>
      %get3A_861 = arith.constant 2 : i32
      %get3A_862 = arith.constant 0 : i32
      %get3A_863 = arith.index_cast %get3A_861 : i32 to index
      %get3A_864 = arith.index_cast %get3A_862 : i32 to index
      %get3A_865 = arith.index_cast %mul3A_857 : i32 to index
      %get3A_866 = tpu.vector_load %arg8[%get3A_863, %get3A_864, %get3A_865] {strides = array<i32>} : memref<4x16x1024xf32, #tpu.memory_space<vmem>>, vector<1x1x16xf32>,
      %get3A_867 = vector.shape_cast %get3A_866 : vector<1x1x16xf32> to vector<16xf32>
      %mul3A_868 = arith.mulf %get3A_867, %get3A_860 : vector<16xf32>
      %add3A_869 = arith.addf %scan3A_840, %mul3A_868 : vector<16xf32>
      %get3A_870 = arith.constant 2 : i32
      %get3A_871 = arith.constant 1 : i32
      %get3A_872 = arith.index_cast %get3A_870 : i32 to index
      %get3A_873 = arith.index_cast %get3A_871 : i32 to index
      %get3A_874 = arith.index_cast %mul3A_857 : i32 to index
      %get3A_875 = tpu.vector_load %arg8[%get3A_872, %get3A_873, %get3A_874] {strides = array<i32>} : memref<4x16x1024xf32, #tpu.memory_space<vmem>>, vector<1x1x16xf32>,
      %get3A_876 = vector.shape_cast %get3A_875 : vector<1x1x16xf32> to vector<16xf32>
      %mul3A_877 = arith.mulf %get3A_876, %get3A_860 : vector<16xf32>
      %add3A_878 = arith.addf %scan3A_841, %mul3A_877 : vector<16xf32>
      %get3A_879 = arith.constant 2 : i32
      %get3A_880 = arith.constant 2 : i32
      %get3A_881 = arith.index_cast %get3A_879 : i32 to index
      %get3A_882 = arith.index_cast %get3A_880 : i32 to index
      %get3A_883 = arith.index_cast %mul3A_857 : i32 to index
      %get3A_884 = tpu.vector_load %arg8[%get3A_881, %get3A_882, %get3A_883] {strides = array<i32>} : memref<4x16x1024xf32, #tpu.memory_space<vmem>>, vector<1x1x16xf32>,
      %get3A_885 = vector.shape_cast %get3A_884 : vector<1x1x16xf32> to vector<16xf32>
      %mul3A_886 = arith.mulf %get3A_885, %get3A_860 : vector<16xf32>
      %add3A_887 = arith.addf %scan3A_842, %mul3A_886 : vector<16xf32>
      %get3A_888 = arith.constant 2 : i32
      %get3A_889 = arith.constant 3 : i32
      %get3A_890 = arith.index_cast %get3A_888 : i32 to index
      %get3A_891 = arith.index_cast %get3A_889 : i32 to index
      %get3A_892 = arith.index_cast %mul3A_857 : i32 to index
      %get3A_893 = tpu.vector_load %arg8[%get3A_890, %get3A_891, %get3A_892] {strides = array<i32>} : memref<4x16x1024xf32, #tpu.memory_space<vmem>>, vector<1x1x16xf32>,
      %get3A_894 = vector.shape_cast %get3A_893 : vector<1x1x16xf32> to vector<16xf32>
      %mul3A_895 = arith.mulf %get3A_894, %get3A_860 : vector<16xf32>
      %add3A_896 = arith.addf %scan3A_843, %mul3A_895 : vector<16xf32>
      %get3A_897 = arith.constant 2 : i32
      %get3A_898 = arith.constant 4 : i32
      %get3A_899 = arith.index_cast %get3A_897 : i32 to index
      %get3A_900 = arith.index_cast %get3A_898 : i32 to index
      %get3A_901 = arith.index_cast %mul3A_857 : i32 to index
      %get3A_902 = tpu.vector_load %arg8[%get3A_899, %get3A_900, %get3A_901] {strides = array<i32>} : memref<4x16x1024xf32, #tpu.memory_space<vmem>>, vector<1x1x16xf32>,
      %get3A_903 = vector.shape_cast %get3A_902 : vector<1x1x16xf32> to vector<16xf32>
      %mul3A_904 = arith.mulf %get3A_903, %get3A_860 : vector<16xf32>
      %add3A_905 = arith.addf %scan3A_844, %mul3A_904 : vector<16xf32>
      %get3A_906 = arith.constant 2 : i32
      %get3A_907 = arith.constant 5 : i32
      %get3A_908 = arith.index_cast %get3A_906 : i32 to index
      %get3A_909 = arith.index_cast %get3A_907 : i32 to index
      %get3A_910 = arith.index_cast %mul3A_857 : i32 to index
      %get3A_911 = tpu.vector_load %arg8[%get3A_908, %get3A_909, %get3A_910] {strides = array<i32>} : memref<4x16x1024xf32, #tpu.memory_space<vmem>>, vector<1x1x16xf32>,
      %get3A_912 = vector.shape_cast %get3A_911 : vector<1x1x16xf32> to vector<16xf32>
      %mul3A_913 = arith.mulf %get3A_912, %get3A_860 : vector<16xf32>
      %add3A_914 = arith.addf %scan3A_845, %mul3A_913 : vector<16xf32>
      %get3A_915 = arith.constant 2 : i32
      %get3A_916 = arith.constant 6 : i32
      %get3A_917 = arith.index_cast %get3A_915 : i32 to index
      %get3A_918 = arith.index_cast %get3A_916 : i32 to index
      %get3A_919 = arith.index_cast %mul3A_857 : i32 to index
      %get3A_920 = tpu.vector_load %arg8[%get3A_917, %get3A_918, %get3A_919] {strides = array<i32>} : memref<4x16x1024xf32, #tpu.memory_space<vmem>>, vector<1x1x16xf32>,
      %get3A_921 = vector.shape_cast %get3A_920 : vector<1x1x16xf32> to vector<16xf32>
      %mul3A_922 = arith.mulf %get3A_921, %get3A_860 : vector<16xf32>
      %add3A_923 = arith.addf %scan3A_846, %mul3A_922 : vector<16xf32>
      %get3A_924 = arith.constant 2 : i32
      %get3A_925 = arith.constant 7 : i32
      %get3A_926 = arith.index_cast %get3A_924 : i32 to index
      %get3A_927 = arith.index_cast %get3A_925 : i32 to index
      %get3A_928 = arith.index_cast %mul3A_857 : i32 to index
      %get3A_929 = tpu.vector_load %arg8[%get3A_926, %get3A_927, %get3A_928] {strides = array<i32>} : memref<4x16x1024xf32, #tpu.memory_space<vmem>>, vector<1x1x16xf32>,
      %get3A_930 = vector.shape_cast %get3A_929 : vector<1x1x16xf32> to vector<16xf32>
      %mul3A_931 = arith.mulf %get3A_930, %get3A_860 : vector<16xf32>
      %add3A_932 = arith.addf %scan3A_847, %mul3A_931 : vector<16xf32>
      %get3A_933 = arith.constant 2 : i32
      %get3A_934 = arith.constant 8 : i32
      %get3A_935 = arith.index_cast %get3A_933 : i32 to index
      %get3A_936 = arith.index_cast %get3A_934 : i32 to index
      %get3A_937 = arith.index_cast %mul3A_857 : i32 to index
      %get3A_938 = tpu.vector_load %arg8[%get3A_935, %get3A_936, %get3A_937] {strides = array<i32>} : memref<4x16x1024xf32, #tpu.memory_space<vmem>>, vector<1x1x16xf32>,
      %get3A_939 = vector.shape_cast %get3A_938 : vector<1x1x16xf32> to vector<16xf32>
      %mul3A_940 = arith.mulf %get3A_939, %get3A_860 : vector<16xf32>
      %add3A_941 = arith.addf %scan3A_848, %mul3A_940 : vector<16xf32>
      %get3A_942 = arith.constant 2 : i32
      %get3A_943 = arith.constant 9 : i32
      %get3A_944 = arith.index_cast %get3A_942 : i32 to index
      %get3A_945 = arith.index_cast %get3A_943 : i32 to index
      %get3A_946 = arith.index_cast %mul3A_857 : i32 to index
      %get3A_947 = tpu.vector_load %arg8[%get3A_944, %get3A_945, %get3A_946] {strides = array<i32>} : memref<4x16x1024xf32, #tpu.memory_space<vmem>>, vector<1x1x16xf32>,
      %get3A_948 = vector.shape_cast %get3A_947 : vector<1x1x16xf32> to vector<16xf32>
      %mul3A_949 = arith.mulf %get3A_948, %get3A_860 : vector<16xf32>
      %add3A_950 = arith.addf %scan3A_849, %mul3A_949 : vector<16xf32>
      %get3A_951 = arith.constant 2 : i32
      %get3A_952 = arith.constant 10 : i32
      %get3A_953 = arith.index_cast %get3A_951 : i32 to index
      %get3A_954 = arith.index_cast %get3A_952 : i32 to index
      %get3A_955 = arith.index_cast %mul3A_857 : i32 to index
      %get3A_956 = tpu.vector_load %arg8[%get3A_953, %get3A_954, %get3A_955] {strides = array<i32>} : memref<4x16x1024xf32, #tpu.memory_space<vmem>>, vector<1x1x16xf32>,
      %get3A_957 = vector.shape_cast %get3A_956 : vector<1x1x16xf32> to vector<16xf32>
      %mul3A_958 = arith.mulf %get3A_957, %get3A_860 : vector<16xf32>
      %add3A_959 = arith.addf %scan3A_850, %mul3A_958 : vector<16xf32>
      %get3A_960 = arith.constant 2 : i32
      %get3A_961 = arith.constant 11 : i32
      %get3A_962 = arith.index_cast %get3A_960 : i32 to index
      %get3A_963 = arith.index_cast %get3A_961 : i32 to index
      %get3A_964 = arith.index_cast %mul3A_857 : i32 to index
      %get3A_965 = tpu.vector_load %arg8[%get3A_962, %get3A_963, %get3A_964] {strides = array<i32>} : memref<4x16x1024xf32, #tpu.memory_space<vmem>>, vector<1x1x16xf32>,
      %get3A_966 = vector.shape_cast %get3A_965 : vector<1x1x16xf32> to vector<16xf32>
      %mul3A_967 = arith.mulf %get3A_966, %get3A_860 : vector<16xf32>
      %add3A_968 = arith.addf %scan3A_851, %mul3A_967 : vector<16xf32>
      %get3A_969 = arith.constant 2 : i32
      %get3A_970 = arith.constant 12 : i32
      %get3A_971 = arith.index_cast %get3A_969 : i32 to index
      %get3A_972 = arith.index_cast %get3A_970 : i32 to index
      %get3A_973 = arith.index_cast %mul3A_857 : i32 to index
      %get3A_974 = tpu.vector_load %arg8[%get3A_971, %get3A_972, %get3A_973] {strides = array<i32>} : memref<4x16x1024xf32, #tpu.memory_space<vmem>>, vector<1x1x16xf32>,
      %get3A_975 = vector.shape_cast %get3A_974 : vector<1x1x16xf32> to vector<16xf32>
      %mul3A_976 = arith.mulf %get3A_975, %get3A_860 : vector<16xf32>
      %add3A_977 = arith.addf %scan3A_852, %mul3A_976 : vector<16xf32>
      %get3A_978 = arith.constant 2 : i32
      %get3A_979 = arith.constant 13 : i32
      %get3A_980 = arith.index_cast %get3A_978 : i32 to index
      %get3A_981 = arith.index_cast %get3A_979 : i32 to index
      %get3A_982 = arith.index_cast %mul3A_857 : i32 to index
      %get3A_983 = tpu.vector_load %arg8[%get3A_980, %get3A_981, %get3A_982] {strides = array<i32>} : memref<4x16x1024xf32, #tpu.memory_space<vmem>>, vector<1x1x16xf32>,
      %get3A_984 = vector.shape_cast %get3A_983 : vector<1x1x16xf32> to vector<16xf32>
      %mul3A_985 = arith.mulf %get3A_984, %get3A_860 : vector<16xf32>
      %add3A_986 = arith.addf %scan3A_853, %mul3A_985 : vector<16xf32>
      %get3A_987 = arith.constant 2 : i32
      %get3A_988 = arith.constant 14 : i32
      %get3A_989 = arith.index_cast %get3A_987 : i32 to index
      %get3A_990 = arith.index_cast %get3A_988 : i32 to index
      %get3A_991 = arith.index_cast %mul3A_857 : i32 to index
      %get3A_992 = tpu.vector_load %arg8[%get3A_989, %get3A_990, %get3A_991] {strides = array<i32>} : memref<4x16x1024xf32, #tpu.memory_space<vmem>>, vector<1x1x16xf32>,
      %get3A_993 = vector.shape_cast %get3A_992 : vector<1x1x16xf32> to vector<16xf32>
      %mul3A_994 = arith.mulf %get3A_993, %get3A_860 : vector<16xf32>
      %add3A_995 = arith.addf %scan3A_854, %mul3A_994 : vector<16xf32>
      %get3A_996 = arith.constant 2 : i32
      %get3A_997 = arith.constant 15 : i32
      %get3A_998 = arith.index_cast %get3A_996 : i32 to index
      %get3A_999 = arith.index_cast %get3A_997 : i32 to index
      %get3A_1000 = arith.index_cast %mul3A_857 : i32 to index
      %get3A_1001 = tpu.vector_load %arg8[%get3A_998, %get3A_999, %get3A_1000] {strides = array<i32>} : memref<4x16x1024xf32, #tpu.memory_space<vmem>>, vector<1x1x16xf32>,
      %get3A_1002 = vector.shape_cast %get3A_1001 : vector<1x1x16xf32> to vector<16xf32>
      %mul3A_1003 = arith.mulf %get3A_1002, %get3A_860 : vector<16xf32>
      %add3A_1004 = arith.addf %scan3A_855, %mul3A_1003 : vector<16xf32>
      scf.yield %add3A_869, %add3A_878, %add3A_887, %add3A_896, %add3A_905, %add3A_914, %add3A_923, %add3A_932, %add3A_941, %add3A_950, %add3A_959, %add3A_968, %add3A_977, %add3A_986, %add3A_995, %add3A_1004 : vector<16xf32>, vector<16xf32>, vector<16xf32>, vector<16xf32>, vector<16xf32>, vector<16xf32>, vector<16xf32>, vector<16xf32>, vector<16xf32>, vector<16xf32>, vector<16xf32>, vector<16xf32>, vector<16xf32>, vector<16xf32>, vector<16xf32>, vector<16xf32>
    }
    %scan3A_508 = arith.constant 64 : i32
    %broadcast_in_dim3A_509 = vector.shape_cast %xor3A_53 : vector<16xi32> to vector<16x1xi32>
    %gather3A_510 = vector.shape_cast %broadcast_in_dim3A_509 : vector<16x1xi32> to vector<16xi32>
    %gather3A_511 = tpu.dynamic_gather %scan3A_507#0[%gather3A_510] in [0] : vector<16xf32>, vector<16xi32> -> vector<16xf32>
    %add3A_512 = arith.addf %scan3A_507#0, %gather3A_511 : vector<16xf32>
    %broadcast_in_dim3A_513 = vector.shape_cast %xor3A_53 : vector<16xi32> to vector<16x1xi32>
    %gather3A_514 = vector.shape_cast %broadcast_in_dim3A_513 : vector<16x1xi32> to vector<16xi32>
    %gather3A_515 = tpu.dynamic_gather %scan3A_507#8[%gather3A_514] in [0] : vector<16xf32>, vector<16xi32> -> vector<16xf32>
    %add3A_516 = arith.addf %scan3A_507#8, %gather3A_515 : vector<16xf32>
    %select_n3A_517 = arith.select %eq3A_66, %add3A_512, %add3A_516 : vector<16xi1>, vector<16xf32>
    %broadcast_in_dim3A_518 = vector.shape_cast %xor3A_53 : vector<16xi32> to vector<16x1xi32>
    %gather3A_519 = vector.shape_cast %broadcast_in_dim3A_518 : vector<16x1xi32> to vector<16xi32>
    %gather3A_520 = tpu.dynamic_gather %scan3A_507#1[%gather3A_519] in [0] : vector<16xf32>, vector<16xi32> -> vector<16xf32>
    %add3A_521 = arith.addf %scan3A_507#1, %gather3A_520 : vector<16xf32>
    %broadcast_in_dim3A_522 = vector.shape_cast %xor3A_53 : vector<16xi32> to vector<16x1xi32>
    %gather3A_523 = vector.shape_cast %broadcast_in_dim3A_522 : vector<16x1xi32> to vector<16xi32>
    %gather3A_524 = tpu.dynamic_gather %scan3A_507#9[%gather3A_523] in [0] : vector<16xf32>, vector<16xi32> -> vector<16xf32>
    %add3A_525 = arith.addf %scan3A_507#9, %gather3A_524 : vector<16xf32>
    %select_n3A_526 = arith.select %eq3A_66, %add3A_521, %add3A_525 : vector<16xi1>, vector<16xf32>
    %broadcast_in_dim3A_527 = vector.shape_cast %xor3A_53 : vector<16xi32> to vector<16x1xi32>
    %gather3A_528 = vector.shape_cast %broadcast_in_dim3A_527 : vector<16x1xi32> to vector<16xi32>
    %gather3A_529 = tpu.dynamic_gather %scan3A_507#2[%gather3A_528] in [0] : vector<16xf32>, vector<16xi32> -> vector<16xf32>
    %add3A_530 = arith.addf %scan3A_507#2, %gather3A_529 : vector<16xf32>
    %broadcast_in_dim3A_531 = vector.shape_cast %xor3A_53 : vector<16xi32> to vector<16x1xi32>
    %gather3A_532 = vector.shape_cast %broadcast_in_dim3A_531 : vector<16x1xi32> to vector<16xi32>
    %gather3A_533 = tpu.dynamic_gather %scan3A_507#10[%gather3A_532] in [0] : vector<16xf32>, vector<16xi32> -> vector<16xf32>
    %add3A_534 = arith.addf %scan3A_507#10, %gather3A_533 : vector<16xf32>
    %select_n3A_535 = arith.select %eq3A_66, %add3A_530, %add3A_534 : vector<16xi1>, vector<16xf32>
    %broadcast_in_dim3A_536 = vector.shape_cast %xor3A_53 : vector<16xi32> to vector<16x1xi32>
    %gather3A_537 = vector.shape_cast %broadcast_in_dim3A_536 : vector<16x1xi32> to vector<16xi32>
    %gather3A_538 = tpu.dynamic_gather %scan3A_507#3[%gather3A_537] in [0] : vector<16xf32>, vector<16xi32> -> vector<16xf32>
    %add3A_539 = arith.addf %scan3A_507#3, %gather3A_538 : vector<16xf32>
    %broadcast_in_dim3A_540 = vector.shape_cast %xor3A_53 : vector<16xi32> to vector<16x1xi32>
    %gather3A_541 = vector.shape_cast %broadcast_in_dim3A_540 : vector<16x1xi32> to vector<16xi32>
    %gather3A_542 = tpu.dynamic_gather %scan3A_507#11[%gather3A_541] in [0] : vector<16xf32>, vector<16xi32> -> vector<16xf32>
    %add3A_543 = arith.addf %scan3A_507#11, %gather3A_542 : vector<16xf32>
    %select_n3A_544 = arith.select %eq3A_66, %add3A_539, %add3A_543 : vector<16xi1>, vector<16xf32>
    %broadcast_in_dim3A_545 = vector.shape_cast %xor3A_53 : vector<16xi32> to vector<16x1xi32>
    %gather3A_546 = vector.shape_cast %broadcast_in_dim3A_545 : vector<16x1xi32> to vector<16xi32>
    %gather3A_547 = tpu.dynamic_gather %scan3A_507#4[%gather3A_546] in [0] : vector<16xf32>, vector<16xi32> -> vector<16xf32>
    %add3A_548 = arith.addf %scan3A_507#4, %gather3A_547 : vector<16xf32>
    %broadcast_in_dim3A_549 = vector.shape_cast %xor3A_53 : vector<16xi32> to vector<16x1xi32>
    %gather3A_550 = vector.shape_cast %broadcast_in_dim3A_549 : vector<16x1xi32> to vector<16xi32>
    %gather3A_551 = tpu.dynamic_gather %scan3A_507#12[%gather3A_550] in [0] : vector<16xf32>, vector<16xi32> -> vector<16xf32>
    %add3A_552 = arith.addf %scan3A_507#12, %gather3A_551 : vector<16xf32>
    %select_n3A_553 = arith.select %eq3A_66, %add3A_548, %add3A_552 : vector<16xi1>, vector<16xf32>
    %broadcast_in_dim3A_554 = vector.shape_cast %xor3A_53 : vector<16xi32> to vector<16x1xi32>
    %gather3A_555 = vector.shape_cast %broadcast_in_dim3A_554 : vector<16x1xi32> to vector<16xi32>
    %gather3A_556 = tpu.dynamic_gather %scan3A_507#5[%gather3A_555] in [0] : vector<16xf32>, vector<16xi32> -> vector<16xf32>
    %add3A_557 = arith.addf %scan3A_507#5, %gather3A_556 : vector<16xf32>
    %broadcast_in_dim3A_558 = vector.shape_cast %xor3A_53 : vector<16xi32> to vector<16x1xi32>
    %gather3A_559 = vector.shape_cast %broadcast_in_dim3A_558 : vector<16x1xi32> to vector<16xi32>
    %gather3A_560 = tpu.dynamic_gather %scan3A_507#13[%gather3A_559] in [0] : vector<16xf32>, vector<16xi32> -> vector<16xf32>
    %add3A_561 = arith.addf %scan3A_507#13, %gather3A_560 : vector<16xf32>
    %select_n3A_562 = arith.select %eq3A_66, %add3A_557, %add3A_561 : vector<16xi1>, vector<16xf32>
    %broadcast_in_dim3A_563 = vector.shape_cast %xor3A_53 : vector<16xi32> to vector<16x1xi32>
    %gather3A_564 = vector.shape_cast %broadcast_in_dim3A_563 : vector<16x1xi32> to vector<16xi32>
    %gather3A_565 = tpu.dynamic_gather %scan3A_507#6[%gather3A_564] in [0] : vector<16xf32>, vector<16xi32> -> vector<16xf32>
    %add3A_566 = arith.addf %scan3A_507#6, %gather3A_565 : vector<16xf32>
    %broadcast_in_dim3A_567 = vector.shape_cast %xor3A_53 : vector<16xi32> to vector<16x1xi32>
    %gather3A_568 = vector.shape_cast %broadcast_in_dim3A_567 : vector<16x1xi32> to vector<16xi32>
    %gather3A_569 = tpu.dynamic_gather %scan3A_507#14[%gather3A_568] in [0] : vector<16xf32>, vector<16xi32> -> vector<16xf32>
    %add3A_570 = arith.addf %scan3A_507#14, %gather3A_569 : vector<16xf32>
    %select_n3A_571 = arith.select %eq3A_66, %add3A_566, %add3A_570 : vector<16xi1>, vector<16xf32>
    %broadcast_in_dim3A_572 = vector.shape_cast %xor3A_53 : vector<16xi32> to vector<16x1xi32>
    %gather3A_573 = vector.shape_cast %broadcast_in_dim3A_572 : vector<16x1xi32> to vector<16xi32>
    %gather3A_574 = tpu.dynamic_gather %scan3A_507#7[%gather3A_573] in [0] : vector<16xf32>, vector<16xi32> -> vector<16xf32>
    %add3A_575 = arith.addf %scan3A_507#7, %gather3A_574 : vector<16xf32>
    %broadcast_in_dim3A_576 = vector.shape_cast %xor3A_53 : vector<16xi32> to vector<16x1xi32>
    %gather3A_577 = vector.shape_cast %broadcast_in_dim3A_576 : vector<16x1xi32> to vector<16xi32>
    %gather3A_578 = tpu.dynamic_gather %scan3A_507#15[%gather3A_577] in [0] : vector<16xf32>, vector<16xi32> -> vector<16xf32>
    %add3A_579 = arith.addf %scan3A_507#15, %gather3A_578 : vector<16xf32>
    %select_n3A_580 = arith.select %eq3A_66, %add3A_575, %add3A_579 : vector<16xi1>, vector<16xf32>
    %broadcast_in_dim3A_581 = vector.shape_cast %xor3A_56 : vector<16xi32> to vector<16x1xi32>
    %gather3A_582 = vector.shape_cast %broadcast_in_dim3A_581 : vector<16x1xi32> to vector<16xi32>
    %gather3A_583 = tpu.dynamic_gather %select_n3A_517[%gather3A_582] in [0] : vector<16xf32>, vector<16xi32> -> vector<16xf32>
    %add3A_584 = arith.addf %select_n3A_517, %gather3A_583 : vector<16xf32>
    %broadcast_in_dim3A_585 = vector.shape_cast %xor3A_56 : vector<16xi32> to vector<16x1xi32>
    %gather3A_586 = vector.shape_cast %broadcast_in_dim3A_585 : vector<16x1xi32> to vector<16xi32>
    %gather3A_587 = tpu.dynamic_gather %select_n3A_553[%gather3A_586] in [0] : vector<16xf32>, vector<16xi32> -> vector<16xf32>
    %add3A_588 = arith.addf %select_n3A_553, %gather3A_587 : vector<16xf32>
    %select_n3A_589 = arith.select %eq3A_72, %add3A_584, %add3A_588 : vector<16xi1>, vector<16xf32>
    %broadcast_in_dim3A_590 = vector.shape_cast %xor3A_56 : vector<16xi32> to vector<16x1xi32>
    %gather3A_591 = vector.shape_cast %broadcast_in_dim3A_590 : vector<16x1xi32> to vector<16xi32>
    %gather3A_592 = tpu.dynamic_gather %select_n3A_526[%gather3A_591] in [0] : vector<16xf32>, vector<16xi32> -> vector<16xf32>
    %add3A_593 = arith.addf %select_n3A_526, %gather3A_592 : vector<16xf32>
    %broadcast_in_dim3A_594 = vector.shape_cast %xor3A_56 : vector<16xi32> to vector<16x1xi32>
    %gather3A_595 = vector.shape_cast %broadcast_in_dim3A_594 : vector<16x1xi32> to vector<16xi32>
    %gather3A_596 = tpu.dynamic_gather %select_n3A_562[%gather3A_595] in [0] : vector<16xf32>, vector<16xi32> -> vector<16xf32>
    %add3A_597 = arith.addf %select_n3A_562, %gather3A_596 : vector<16xf32>
    %select_n3A_598 = arith.select %eq3A_72, %add3A_593, %add3A_597 : vector<16xi1>, vector<16xf32>
    %broadcast_in_dim3A_599 = vector.shape_cast %xor3A_56 : vector<16xi32> to vector<16x1xi32>
    %gather3A_600 = vector.shape_cast %broadcast_in_dim3A_599 : vector<16x1xi32> to vector<16xi32>
    %gather3A_601 = tpu.dynamic_gather %select_n3A_535[%gather3A_600] in [0] : vector<16xf32>, vector<16xi32> -> vector<16xf32>
    %add3A_602 = arith.addf %select_n3A_535, %gather3A_601 : vector<16xf32>
    %broadcast_in_dim3A_603 = vector.shape_cast %xor3A_56 : vector<16xi32> to vector<16x1xi32>
    %gather3A_604 = vector.shape_cast %broadcast_in_dim3A_603 : vector<16x1xi32> to vector<16xi32>
    %gather3A_605 = tpu.dynamic_gather %select_n3A_571[%gather3A_604] in [0] : vector<16xf32>, vector<16xi32> -> vector<16xf32>
    %add3A_606 = arith.addf %select_n3A_571, %gather3A_605 : vector<16xf32>
    %select_n3A_607 = arith.select %eq3A_72, %add3A_602, %add3A_606 : vector<16xi1>, vector<16xf32>
    %broadcast_in_dim3A_608 = vector.shape_cast %xor3A_56 : vector<16xi32> to vector<16x1xi32>
    %gather3A_609 = vector.shape_cast %broadcast_in_dim3A_608 : vector<16x1xi32> to vector<16xi32>
    %gather3A_610 = tpu.dynamic_gather %select_n3A_544[%gather3A_609] in [0] : vector<16xf32>, vector<16xi32> -> vector<16xf32>
    %add3A_611 = arith.addf %select_n3A_544, %gather3A_610 : vector<16xf32>
    %broadcast_in_dim3A_612 = vector.shape_cast %xor3A_56 : vector<16xi32> to vector<16x1xi32>
    %gather3A_613 = vector.shape_cast %broadcast_in_dim3A_612 : vector<16x1xi32> to vector<16xi32>
    %gather3A_614 = tpu.dynamic_gather %select_n3A_580[%gather3A_613] in [0] : vector<16xf32>, vector<16xi32> -> vector<16xf32>
    %add3A_615 = arith.addf %select_n3A_580, %gather3A_614 : vector<16xf32>
    %select_n3A_616 = arith.select %eq3A_72, %add3A_611, %add3A_615 : vector<16xi1>, vector<16xf32>
    %broadcast_in_dim3A_617 = vector.shape_cast %xor3A_59 : vector<16xi32> to vector<16x1xi32>
    %gather3A_618 = vector.shape_cast %broadcast_in_dim3A_617 : vector<16x1xi32> to vector<16xi32>
    %gather3A_619 = tpu.dynamic_gather %select_n3A_589[%gather3A_618] in [0] : vector<16xf32>, vector<16xi32> -> vector<16xf32>
    %add3A_620 = arith.addf %select_n3A_589, %gather3A_619 : vector<16xf32>
    %broadcast_in_dim3A_621 = vector.shape_cast %xor3A_59 : vector<16xi32> to vector<16x1xi32>
    %gather3A_622 = vector.shape_cast %broadcast_in_dim3A_621 : vector<16x1xi32> to vector<16xi32>
    %gather3A_623 = tpu.dynamic_gather %select_n3A_607[%gather3A_622] in [0] : vector<16xf32>, vector<16xi32> -> vector<16xf32>
    %add3A_624 = arith.addf %select_n3A_607, %gather3A_623 : vector<16xf32>
    %select_n3A_625 = arith.select %eq3A_78, %add3A_620, %add3A_624 : vector<16xi1>, vector<16xf32>
    %broadcast_in_dim3A_626 = vector.shape_cast %xor3A_59 : vector<16xi32> to vector<16x1xi32>
    %gather3A_627 = vector.shape_cast %broadcast_in_dim3A_626 : vector<16x1xi32> to vector<16xi32>
    %gather3A_628 = tpu.dynamic_gather %select_n3A_598[%gather3A_627] in [0] : vector<16xf32>, vector<16xi32> -> vector<16xf32>
    %add3A_629 = arith.addf %select_n3A_598, %gather3A_628 : vector<16xf32>
    %broadcast_in_dim3A_630 = vector.shape_cast %xor3A_59 : vector<16xi32> to vector<16x1xi32>
    %gather3A_631 = vector.shape_cast %broadcast_in_dim3A_630 : vector<16x1xi32> to vector<16xi32>
    %gather3A_632 = tpu.dynamic_gather %select_n3A_616[%gather3A_631] in [0] : vector<16xf32>, vector<16xi32> -> vector<16xf32>
    %add3A_633 = arith.addf %select_n3A_616, %gather3A_632 : vector<16xf32>
    %select_n3A_634 = arith.select %eq3A_78, %add3A_629, %add3A_633 : vector<16xi1>, vector<16xf32>
    %broadcast_in_dim3A_635 = vector.shape_cast %xor3A_62 : vector<16xi32> to vector<16x1xi32>
    %gather3A_636 = vector.shape_cast %broadcast_in_dim3A_635 : vector<16x1xi32> to vector<16xi32>
    %gather3A_637 = tpu.dynamic_gather %select_n3A_625[%gather3A_636] in [0] : vector<16xf32>, vector<16xi32> -> vector<16xf32>
    %add3A_638 = arith.addf %select_n3A_625, %gather3A_637 : vector<16xf32>
    %broadcast_in_dim3A_639 = vector.shape_cast %xor3A_62 : vector<16xi32> to vector<16x1xi32>
    %gather3A_640 = vector.shape_cast %broadcast_in_dim3A_639 : vector<16x1xi32> to vector<16xi32>
    %gather3A_641 = tpu.dynamic_gather %select_n3A_634[%gather3A_640] in [0] : vector<16xf32>, vector<16xi32> -> vector<16xf32>
    %add3A_642 = arith.addf %select_n3A_634, %gather3A_641 : vector<16xf32>
    %select_n3A_643 = arith.select %eq3A_84, %add3A_638, %add3A_642 : vector<16xi1>, vector<16xf32>
    %add3A_644 = arith.addf %select_n3A_643, %get3A_51 : vector<16xf32>
    %swap3A_645 = arith.constant 32 : index
    %swap3A_646 = tpu.vector_load %arg11[%swap3A_645] {strides = array<i32>} : memref<64xf32, #tpu.memory_space<vmem>>, vector<16xf32>,
    %swap3A_647 = vector.shape_cast %swap3A_646 : vector<16xf32> to vector<16xf32>
    %swap3A_648 = vector.shape_cast %add3A_644 : vector<16xf32> to vector<16xf32>
    tpu.vector_store %arg11[%swap3A_645], %swap3A_648 {strides = array<i32>} : memref<64xf32, #tpu.memory_space<vmem>>, vector<16xf32>,
    %dma_wait3A_649 = arith.constant 3 : i32
    %dma_wait3A_650 = arith.constant 3 : i32
    %dma_wait3A_651 = arith.constant 0 : i32
    %dma_wait3A_652 = arith.constant 0 : i32
    %dma_wait3A_653 = tpu.memref_slice %arg8[%dma_wait3A_650, %dma_wait3A_651, %dma_wait3A_652] : memref<4x16x1024xf32, #tpu.memory_space<vmem>> -> memref<1x16x1024xf32, #tpu.memory_space<vmem>>
    %dma_wait3A_654 = tpu.memref_squeeze %dma_wait3A_653 : memref<1x16x1024xf32, #tpu.memory_space<vmem>> -> memref<16x1024xf32, #tpu.memory_space<vmem>>
    %dma_wait3A_655 = arith.constant 0 : i32
    %dma_wait3A_656 = tpu.memref_slice %arg7[%dma_wait3A_649, %dma_wait3A_655] : memref<4x16xi32, #tpu.memory_space<vmem>> -> memref<1x16xi32, #tpu.memory_space<vmem>>
    %dma_wait3A_657 = tpu.memref_squeeze %dma_wait3A_656 : memref<1x16xi32, #tpu.memory_space<vmem>> -> memref<16xi32, #tpu.memory_space<vmem>>
    %dma_wait3A_658 = arith.constant 0 : i32
    %dma_wait3A_659 = arith.constant 0 : i32
    %dma_wait3A_660 = tpu.memref_slice %arg2[%dma_wait3A_658, %dma_wait3A_659] : memref<32768x1024xf32, #tpu.memory_space<hbm>> -> memref<32768x1024xf32, #tpu.memory_space<hbm>>
    tpu.wait_indirect_dma semaphore(%arg15 : memref<!tpu.dma_semaphore, #tpu.memory_space<semaphore_mem>>) src(%dma_wait3A_660 : memref<32768x1024xf32, #tpu.memory_space<hbm>>) dst(%dma_wait3A_654 : memref<16x1024xf32, #tpu.memory_space<vmem>>)
    %broadcast_in_dim3A_661 = arith.constant 0.000000e+00 : f32
    %broadcast_in_dim3A_662 = vector.broadcast %broadcast_in_dim3A_661 : f32 to vector<16xf32>
    %broadcast_in_dim3A_663 = arith.constant 0.000000e+00 : f32
    %broadcast_in_dim3A_664 = vector.broadcast %broadcast_in_dim3A_663 : f32 to vector<16xf32>
    %broadcast_in_dim3A_665 = arith.constant 0.000000e+00 : f32
    %broadcast_in_dim3A_666 = vector.broadcast %broadcast_in_dim3A_665 : f32 to vector<16xf32>
    %broadcast_in_dim3A_667 = arith.constant 0.000000e+00 : f32
    %broadcast_in_dim3A_668 = vector.broadcast %broadcast_in_dim3A_667 : f32 to vector<16xf32>
    %broadcast_in_dim3A_669 = arith.constant 0.000000e+00 : f32
    %broadcast_in_dim3A_670 = vector.broadcast %broadcast_in_dim3A_669 : f32 to vector<16xf32>
    %broadcast_in_dim3A_671 = arith.constant 0.000000e+00 : f32
    %broadcast_in_dim3A_672 = vector.broadcast %broadcast_in_dim3A_671 : f32 to vector<16xf32>
    %broadcast_in_dim3A_673 = arith.constant 0.000000e+00 : f32
    %broadcast_in_dim3A_674 = vector.broadcast %broadcast_in_dim3A_673 : f32 to vector<16xf32>
    %broadcast_in_dim3A_675 = arith.constant 0.000000e+00 : f32
    %broadcast_in_dim3A_676 = vector.broadcast %broadcast_in_dim3A_675 : f32 to vector<16xf32>
    %broadcast_in_dim3A_677 = arith.constant 0.000000e+00 : f32
    %broadcast_in_dim3A_678 = vector.broadcast %broadcast_in_dim3A_677 : f32 to vector<16xf32>
    %broadcast_in_dim3A_679 = arith.constant 0.000000e+00 : f32
    %broadcast_in_dim3A_680 = vector.broadcast %broadcast_in_dim3A_679 : f32 to vector<16xf32>
    %broadcast_in_dim3A_681 = arith.constant 0.000000e+00 : f32
    %broadcast_in_dim3A_682 = vector.broadcast %broadcast_in_dim3A_681 : f32 to vector<16xf32>
    %broadcast_in_dim3A_683 = arith.constant 0.000000e+00 : f32
    %broadcast_in_dim3A_684 = vector.broadcast %broadcast_in_dim3A_683 : f32 to vector<16xf32>
    %broadcast_in_dim3A_685 = arith.constant 0.000000e+00 : f32
    %broadcast_in_dim3A_686 = vector.broadcast %broadcast_in_dim3A_685 : f32 to vector<16xf32>
    %broadcast_in_dim3A_687 = arith.constant 0.000000e+00 : f32
    %broadcast_in_dim3A_688 = vector.broadcast %broadcast_in_dim3A_687 : f32 to vector<16xf32>
    %broadcast_in_dim3A_689 = arith.constant 0.000000e+00 : f32
    %broadcast_in_dim3A_690 = vector.broadcast %broadcast_in_dim3A_689 : f32 to vector<16xf32>
    %broadcast_in_dim3A_691 = arith.constant 0.000000e+00 : f32
    %broadcast_in_dim3A_692 = vector.broadcast %broadcast_in_dim3A_691 : f32 to vector<16xf32>
    %scan3A_693 = arith.constant 0 : i32
    %scan3A_694 = arith.constant 64 : i32
    %scan3A_695 = arith.addi %scan3A_693, %scan3A_694 : i32
    %scan3A_696 = arith.constant 1 : i32
    %scan3A_697:16 = scf.for %scan3A_839 = %scan3A_693 to %scan3A_695 step %scan3A_696 iter_args(%scan3A_840 = %broadcast_in_dim3A_662, %scan3A_841 = %broadcast_in_dim3A_664, %scan3A_842 = %broadcast_in_dim3A_666, %scan3A_843 = %broadcast_in_dim3A_668, %scan3A_844 = %broadcast_in_dim3A_670, %scan3A_845 = %broadcast_in_dim3A_672, %scan3A_846 = %broadcast_in_dim3A_674, %scan3A_847 = %broadcast_in_dim3A_676, %scan3A_848 = %broadcast_in_dim3A_678, %scan3A_849 = %broadcast_in_dim3A_680, %scan3A_850 = %broadcast_in_dim3A_682, %scan3A_851 = %broadcast_in_dim3A_684, %scan3A_852 = %broadcast_in_dim3A_686, %scan3A_853 = %broadcast_in_dim3A_688, %scan3A_854 = %broadcast_in_dim3A_690, %scan3A_855 = %broadcast_in_dim3A_692) -> (vector<16xf32>, vector<16xf32>, vector<16xf32>, vector<16xf32>, vector<16xf32>, vector<16xf32>, vector<16xf32>, vector<16xf32>, vector<16xf32>, vector<16xf32>, vector<16xf32>, vector<16xf32>, vector<16xf32>, vector<16xf32>, vector<16xf32>, vector<16xf32>)  : i32 {
      %mul3A_856 = arith.constant 16 : i32
      %mul3A_857 = arith.muli %scan3A_839, %mul3A_856 : i32
      %get3A_858 = arith.index_cast %mul3A_857 : i32 to index
      %get3A_859 = tpu.vector_load %arg9[%get3A_858] {strides = array<i32>} : memref<1024xf32, #tpu.memory_space<vmem>>, vector<16xf32>,
      %get3A_860 = vector.shape_cast %get3A_859 : vector<16xf32> to vector<16xf32>
      %get3A_861 = arith.constant 3 : i32
      %get3A_862 = arith.constant 0 : i32
      %get3A_863 = arith.index_cast %get3A_861 : i32 to index
      %get3A_864 = arith.index_cast %get3A_862 : i32 to index
      %get3A_865 = arith.index_cast %mul3A_857 : i32 to index
      %get3A_866 = tpu.vector_load %arg8[%get3A_863, %get3A_864, %get3A_865] {strides = array<i32>} : memref<4x16x1024xf32, #tpu.memory_space<vmem>>, vector<1x1x16xf32>,
      %get3A_867 = vector.shape_cast %get3A_866 : vector<1x1x16xf32> to vector<16xf32>
      %mul3A_868 = arith.mulf %get3A_867, %get3A_860 : vector<16xf32>
      %add3A_869 = arith.addf %scan3A_840, %mul3A_868 : vector<16xf32>
      %get3A_870 = arith.constant 3 : i32
      %get3A_871 = arith.constant 1 : i32
      %get3A_872 = arith.index_cast %get3A_870 : i32 to index
      %get3A_873 = arith.index_cast %get3A_871 : i32 to index
      %get3A_874 = arith.index_cast %mul3A_857 : i32 to index
      %get3A_875 = tpu.vector_load %arg8[%get3A_872, %get3A_873, %get3A_874] {strides = array<i32>} : memref<4x16x1024xf32, #tpu.memory_space<vmem>>, vector<1x1x16xf32>,
      %get3A_876 = vector.shape_cast %get3A_875 : vector<1x1x16xf32> to vector<16xf32>
      %mul3A_877 = arith.mulf %get3A_876, %get3A_860 : vector<16xf32>
      %add3A_878 = arith.addf %scan3A_841, %mul3A_877 : vector<16xf32>
      %get3A_879 = arith.constant 3 : i32
      %get3A_880 = arith.constant 2 : i32
      %get3A_881 = arith.index_cast %get3A_879 : i32 to index
      %get3A_882 = arith.index_cast %get3A_880 : i32 to index
      %get3A_883 = arith.index_cast %mul3A_857 : i32 to index
      %get3A_884 = tpu.vector_load %arg8[%get3A_881, %get3A_882, %get3A_883] {strides = array<i32>} : memref<4x16x1024xf32, #tpu.memory_space<vmem>>, vector<1x1x16xf32>,
      %get3A_885 = vector.shape_cast %get3A_884 : vector<1x1x16xf32> to vector<16xf32>
      %mul3A_886 = arith.mulf %get3A_885, %get3A_860 : vector<16xf32>
      %add3A_887 = arith.addf %scan3A_842, %mul3A_886 : vector<16xf32>
      %get3A_888 = arith.constant 3 : i32
      %get3A_889 = arith.constant 3 : i32
      %get3A_890 = arith.index_cast %get3A_888 : i32 to index
      %get3A_891 = arith.index_cast %get3A_889 : i32 to index
      %get3A_892 = arith.index_cast %mul3A_857 : i32 to index
      %get3A_893 = tpu.vector_load %arg8[%get3A_890, %get3A_891, %get3A_892] {strides = array<i32>} : memref<4x16x1024xf32, #tpu.memory_space<vmem>>, vector<1x1x16xf32>,
      %get3A_894 = vector.shape_cast %get3A_893 : vector<1x1x16xf32> to vector<16xf32>
      %mul3A_895 = arith.mulf %get3A_894, %get3A_860 : vector<16xf32>
      %add3A_896 = arith.addf %scan3A_843, %mul3A_895 : vector<16xf32>
      %get3A_897 = arith.constant 3 : i32
      %get3A_898 = arith.constant 4 : i32
      %get3A_899 = arith.index_cast %get3A_897 : i32 to index
      %get3A_900 = arith.index_cast %get3A_898 : i32 to index
      %get3A_901 = arith.index_cast %mul3A_857 : i32 to index
      %get3A_902 = tpu.vector_load %arg8[%get3A_899, %get3A_900, %get3A_901] {strides = array<i32>} : memref<4x16x1024xf32, #tpu.memory_space<vmem>>, vector<1x1x16xf32>,
      %get3A_903 = vector.shape_cast %get3A_902 : vector<1x1x16xf32> to vector<16xf32>
      %mul3A_904 = arith.mulf %get3A_903, %get3A_860 : vector<16xf32>
      %add3A_905 = arith.addf %scan3A_844, %mul3A_904 : vector<16xf32>
      %get3A_906 = arith.constant 3 : i32
      %get3A_907 = arith.constant 5 : i32
      %get3A_908 = arith.index_cast %get3A_906 : i32 to index
      %get3A_909 = arith.index_cast %get3A_907 : i32 to index
      %get3A_910 = arith.index_cast %mul3A_857 : i32 to index
      %get3A_911 = tpu.vector_load %arg8[%get3A_908, %get3A_909, %get3A_910] {strides = array<i32>} : memref<4x16x1024xf32, #tpu.memory_space<vmem>>, vector<1x1x16xf32>,
      %get3A_912 = vector.shape_cast %get3A_911 : vector<1x1x16xf32> to vector<16xf32>
      %mul3A_913 = arith.mulf %get3A_912, %get3A_860 : vector<16xf32>
      %add3A_914 = arith.addf %scan3A_845, %mul3A_913 : vector<16xf32>
      %get3A_915 = arith.constant 3 : i32
      %get3A_916 = arith.constant 6 : i32
      %get3A_917 = arith.index_cast %get3A_915 : i32 to index
      %get3A_918 = arith.index_cast %get3A_916 : i32 to index
      %get3A_919 = arith.index_cast %mul3A_857 : i32 to index
      %get3A_920 = tpu.vector_load %arg8[%get3A_917, %get3A_918, %get3A_919] {strides = array<i32>} : memref<4x16x1024xf32, #tpu.memory_space<vmem>>, vector<1x1x16xf32>,
      %get3A_921 = vector.shape_cast %get3A_920 : vector<1x1x16xf32> to vector<16xf32>
      %mul3A_922 = arith.mulf %get3A_921, %get3A_860 : vector<16xf32>
      %add3A_923 = arith.addf %scan3A_846, %mul3A_922 : vector<16xf32>
      %get3A_924 = arith.constant 3 : i32
      %get3A_925 = arith.constant 7 : i32
      %get3A_926 = arith.index_cast %get3A_924 : i32 to index
      %get3A_927 = arith.index_cast %get3A_925 : i32 to index
      %get3A_928 = arith.index_cast %mul3A_857 : i32 to index
      %get3A_929 = tpu.vector_load %arg8[%get3A_926, %get3A_927, %get3A_928] {strides = array<i32>} : memref<4x16x1024xf32, #tpu.memory_space<vmem>>, vector<1x1x16xf32>,
      %get3A_930 = vector.shape_cast %get3A_929 : vector<1x1x16xf32> to vector<16xf32>
      %mul3A_931 = arith.mulf %get3A_930, %get3A_860 : vector<16xf32>
      %add3A_932 = arith.addf %scan3A_847, %mul3A_931 : vector<16xf32>
      %get3A_933 = arith.constant 3 : i32
      %get3A_934 = arith.constant 8 : i32
      %get3A_935 = arith.index_cast %get3A_933 : i32 to index
      %get3A_936 = arith.index_cast %get3A_934 : i32 to index
      %get3A_937 = arith.index_cast %mul3A_857 : i32 to index
      %get3A_938 = tpu.vector_load %arg8[%get3A_935, %get3A_936, %get3A_937] {strides = array<i32>} : memref<4x16x1024xf32, #tpu.memory_space<vmem>>, vector<1x1x16xf32>,
      %get3A_939 = vector.shape_cast %get3A_938 : vector<1x1x16xf32> to vector<16xf32>
      %mul3A_940 = arith.mulf %get3A_939, %get3A_860 : vector<16xf32>
      %add3A_941 = arith.addf %scan3A_848, %mul3A_940 : vector<16xf32>
      %get3A_942 = arith.constant 3 : i32
      %get3A_943 = arith.constant 9 : i32
      %get3A_944 = arith.index_cast %get3A_942 : i32 to index
      %get3A_945 = arith.index_cast %get3A_943 : i32 to index
      %get3A_946 = arith.index_cast %mul3A_857 : i32 to index
      %get3A_947 = tpu.vector_load %arg8[%get3A_944, %get3A_945, %get3A_946] {strides = array<i32>} : memref<4x16x1024xf32, #tpu.memory_space<vmem>>, vector<1x1x16xf32>,
      %get3A_948 = vector.shape_cast %get3A_947 : vector<1x1x16xf32> to vector<16xf32>
      %mul3A_949 = arith.mulf %get3A_948, %get3A_860 : vector<16xf32>
      %add3A_950 = arith.addf %scan3A_849, %mul3A_949 : vector<16xf32>
      %get3A_951 = arith.constant 3 : i32
      %get3A_952 = arith.constant 10 : i32
      %get3A_953 = arith.index_cast %get3A_951 : i32 to index
      %get3A_954 = arith.index_cast %get3A_952 : i32 to index
      %get3A_955 = arith.index_cast %mul3A_857 : i32 to index
      %get3A_956 = tpu.vector_load %arg8[%get3A_953, %get3A_954, %get3A_955] {strides = array<i32>} : memref<4x16x1024xf32, #tpu.memory_space<vmem>>, vector<1x1x16xf32>,
      %get3A_957 = vector.shape_cast %get3A_956 : vector<1x1x16xf32> to vector<16xf32>
      %mul3A_958 = arith.mulf %get3A_957, %get3A_860 : vector<16xf32>
      %add3A_959 = arith.addf %scan3A_850, %mul3A_958 : vector<16xf32>
      %get3A_960 = arith.constant 3 : i32
      %get3A_961 = arith.constant 11 : i32
      %get3A_962 = arith.index_cast %get3A_960 : i32 to index
      %get3A_963 = arith.index_cast %get3A_961 : i32 to index
      %get3A_964 = arith.index_cast %mul3A_857 : i32 to index
      %get3A_965 = tpu.vector_load %arg8[%get3A_962, %get3A_963, %get3A_964] {strides = array<i32>} : memref<4x16x1024xf32, #tpu.memory_space<vmem>>, vector<1x1x16xf32>,
      %get3A_966 = vector.shape_cast %get3A_965 : vector<1x1x16xf32> to vector<16xf32>
      %mul3A_967 = arith.mulf %get3A_966, %get3A_860 : vector<16xf32>
      %add3A_968 = arith.addf %scan3A_851, %mul3A_967 : vector<16xf32>
      %get3A_969 = arith.constant 3 : i32
      %get3A_970 = arith.constant 12 : i32
      %get3A_971 = arith.index_cast %get3A_969 : i32 to index
      %get3A_972 = arith.index_cast %get3A_970 : i32 to index
      %get3A_973 = arith.index_cast %mul3A_857 : i32 to index
      %get3A_974 = tpu.vector_load %arg8[%get3A_971, %get3A_972, %get3A_973] {strides = array<i32>} : memref<4x16x1024xf32, #tpu.memory_space<vmem>>, vector<1x1x16xf32>,
      %get3A_975 = vector.shape_cast %get3A_974 : vector<1x1x16xf32> to vector<16xf32>
      %mul3A_976 = arith.mulf %get3A_975, %get3A_860 : vector<16xf32>
      %add3A_977 = arith.addf %scan3A_852, %mul3A_976 : vector<16xf32>
      %get3A_978 = arith.constant 3 : i32
      %get3A_979 = arith.constant 13 : i32
      %get3A_980 = arith.index_cast %get3A_978 : i32 to index
      %get3A_981 = arith.index_cast %get3A_979 : i32 to index
      %get3A_982 = arith.index_cast %mul3A_857 : i32 to index
      %get3A_983 = tpu.vector_load %arg8[%get3A_980, %get3A_981, %get3A_982] {strides = array<i32>} : memref<4x16x1024xf32, #tpu.memory_space<vmem>>, vector<1x1x16xf32>,
      %get3A_984 = vector.shape_cast %get3A_983 : vector<1x1x16xf32> to vector<16xf32>
      %mul3A_985 = arith.mulf %get3A_984, %get3A_860 : vector<16xf32>
      %add3A_986 = arith.addf %scan3A_853, %mul3A_985 : vector<16xf32>
      %get3A_987 = arith.constant 3 : i32
      %get3A_988 = arith.constant 14 : i32
      %get3A_989 = arith.index_cast %get3A_987 : i32 to index
      %get3A_990 = arith.index_cast %get3A_988 : i32 to index
      %get3A_991 = arith.index_cast %mul3A_857 : i32 to index
      %get3A_992 = tpu.vector_load %arg8[%get3A_989, %get3A_990, %get3A_991] {strides = array<i32>} : memref<4x16x1024xf32, #tpu.memory_space<vmem>>, vector<1x1x16xf32>,
      %get3A_993 = vector.shape_cast %get3A_992 : vector<1x1x16xf32> to vector<16xf32>
      %mul3A_994 = arith.mulf %get3A_993, %get3A_860 : vector<16xf32>
      %add3A_995 = arith.addf %scan3A_854, %mul3A_994 : vector<16xf32>
      %get3A_996 = arith.constant 3 : i32
      %get3A_997 = arith.constant 15 : i32
      %get3A_998 = arith.index_cast %get3A_996 : i32 to index
      %get3A_999 = arith.index_cast %get3A_997 : i32 to index
      %get3A_1000 = arith.index_cast %mul3A_857 : i32 to index
      %get3A_1001 = tpu.vector_load %arg8[%get3A_998, %get3A_999, %get3A_1000] {strides = array<i32>} : memref<4x16x1024xf32, #tpu.memory_space<vmem>>, vector<1x1x16xf32>,
      %get3A_1002 = vector.shape_cast %get3A_1001 : vector<1x1x16xf32> to vector<16xf32>
      %mul3A_1003 = arith.mulf %get3A_1002, %get3A_860 : vector<16xf32>
      %add3A_1004 = arith.addf %scan3A_855, %mul3A_1003 : vector<16xf32>
      scf.yield %add3A_869, %add3A_878, %add3A_887, %add3A_896, %add3A_905, %add3A_914, %add3A_923, %add3A_932, %add3A_941, %add3A_950, %add3A_959, %add3A_968, %add3A_977, %add3A_986, %add3A_995, %add3A_1004 : vector<16xf32>, vector<16xf32>, vector<16xf32>, vector<16xf32>, vector<16xf32>, vector<16xf32>, vector<16xf32>, vector<16xf32>, vector<16xf32>, vector<16xf32>, vector<16xf32>, vector<16xf32>, vector<16xf32>, vector<16xf32>, vector<16xf32>, vector<16xf32>
    }
    %scan3A_698 = arith.constant 64 : i32
    %broadcast_in_dim3A_699 = vector.shape_cast %xor3A_53 : vector<16xi32> to vector<16x1xi32>
    %gather3A_700 = vector.shape_cast %broadcast_in_dim3A_699 : vector<16x1xi32> to vector<16xi32>
    %gather3A_701 = tpu.dynamic_gather %scan3A_697#0[%gather3A_700] in [0] : vector<16xf32>, vector<16xi32> -> vector<16xf32>
    %add3A_702 = arith.addf %scan3A_697#0, %gather3A_701 : vector<16xf32>
    %broadcast_in_dim3A_703 = vector.shape_cast %xor3A_53 : vector<16xi32> to vector<16x1xi32>
    %gather3A_704 = vector.shape_cast %broadcast_in_dim3A_703 : vector<16x1xi32> to vector<16xi32>
    %gather3A_705 = tpu.dynamic_gather %scan3A_697#8[%gather3A_704] in [0] : vector<16xf32>, vector<16xi32> -> vector<16xf32>
    %add3A_706 = arith.addf %scan3A_697#8, %gather3A_705 : vector<16xf32>
    %select_n3A_707 = arith.select %eq3A_66, %add3A_702, %add3A_706 : vector<16xi1>, vector<16xf32>
    %broadcast_in_dim3A_708 = vector.shape_cast %xor3A_53 : vector<16xi32> to vector<16x1xi32>
    %gather3A_709 = vector.shape_cast %broadcast_in_dim3A_708 : vector<16x1xi32> to vector<16xi32>
    %gather3A_710 = tpu.dynamic_gather %scan3A_697#1[%gather3A_709] in [0] : vector<16xf32>, vector<16xi32> -> vector<16xf32>
    %add3A_711 = arith.addf %scan3A_697#1, %gather3A_710 : vector<16xf32>
    %broadcast_in_dim3A_712 = vector.shape_cast %xor3A_53 : vector<16xi32> to vector<16x1xi32>
    %gather3A_713 = vector.shape_cast %broadcast_in_dim3A_712 : vector<16x1xi32> to vector<16xi32>
    %gather3A_714 = tpu.dynamic_gather %scan3A_697#9[%gather3A_713] in [0] : vector<16xf32>, vector<16xi32> -> vector<16xf32>
    %add3A_715 = arith.addf %scan3A_697#9, %gather3A_714 : vector<16xf32>
    %select_n3A_716 = arith.select %eq3A_66, %add3A_711, %add3A_715 : vector<16xi1>, vector<16xf32>
    %broadcast_in_dim3A_717 = vector.shape_cast %xor3A_53 : vector<16xi32> to vector<16x1xi32>
    %gather3A_718 = vector.shape_cast %broadcast_in_dim3A_717 : vector<16x1xi32> to vector<16xi32>
    %gather3A_719 = tpu.dynamic_gather %scan3A_697#2[%gather3A_718] in [0] : vector<16xf32>, vector<16xi32> -> vector<16xf32>
    %add3A_720 = arith.addf %scan3A_697#2, %gather3A_719 : vector<16xf32>
    %broadcast_in_dim3A_721 = vector.shape_cast %xor3A_53 : vector<16xi32> to vector<16x1xi32>
    %gather3A_722 = vector.shape_cast %broadcast_in_dim3A_721 : vector<16x1xi32> to vector<16xi32>
    %gather3A_723 = tpu.dynamic_gather %scan3A_697#10[%gather3A_722] in [0] : vector<16xf32>, vector<16xi32> -> vector<16xf32>
    %add3A_724 = arith.addf %scan3A_697#10, %gather3A_723 : vector<16xf32>
    %select_n3A_725 = arith.select %eq3A_66, %add3A_720, %add3A_724 : vector<16xi1>, vector<16xf32>
    %broadcast_in_dim3A_726 = vector.shape_cast %xor3A_53 : vector<16xi32> to vector<16x1xi32>
    %gather3A_727 = vector.shape_cast %broadcast_in_dim3A_726 : vector<16x1xi32> to vector<16xi32>
    %gather3A_728 = tpu.dynamic_gather %scan3A_697#3[%gather3A_727] in [0] : vector<16xf32>, vector<16xi32> -> vector<16xf32>
    %add3A_729 = arith.addf %scan3A_697#3, %gather3A_728 : vector<16xf32>
    %broadcast_in_dim3A_730 = vector.shape_cast %xor3A_53 : vector<16xi32> to vector<16x1xi32>
    %gather3A_731 = vector.shape_cast %broadcast_in_dim3A_730 : vector<16x1xi32> to vector<16xi32>
    %gather3A_732 = tpu.dynamic_gather %scan3A_697#11[%gather3A_731] in [0] : vector<16xf32>, vector<16xi32> -> vector<16xf32>
    %add3A_733 = arith.addf %scan3A_697#11, %gather3A_732 : vector<16xf32>
    %select_n3A_734 = arith.select %eq3A_66, %add3A_729, %add3A_733 : vector<16xi1>, vector<16xf32>
    %broadcast_in_dim3A_735 = vector.shape_cast %xor3A_53 : vector<16xi32> to vector<16x1xi32>
    %gather3A_736 = vector.shape_cast %broadcast_in_dim3A_735 : vector<16x1xi32> to vector<16xi32>
    %gather3A_737 = tpu.dynamic_gather %scan3A_697#4[%gather3A_736] in [0] : vector<16xf32>, vector<16xi32> -> vector<16xf32>
    %add3A_738 = arith.addf %scan3A_697#4, %gather3A_737 : vector<16xf32>
    %broadcast_in_dim3A_739 = vector.shape_cast %xor3A_53 : vector<16xi32> to vector<16x1xi32>
    %gather3A_740 = vector.shape_cast %broadcast_in_dim3A_739 : vector<16x1xi32> to vector<16xi32>
    %gather3A_741 = tpu.dynamic_gather %scan3A_697#12[%gather3A_740] in [0] : vector<16xf32>, vector<16xi32> -> vector<16xf32>
    %add3A_742 = arith.addf %scan3A_697#12, %gather3A_741 : vector<16xf32>
    %select_n3A_743 = arith.select %eq3A_66, %add3A_738, %add3A_742 : vector<16xi1>, vector<16xf32>
    %broadcast_in_dim3A_744 = vector.shape_cast %xor3A_53 : vector<16xi32> to vector<16x1xi32>
    %gather3A_745 = vector.shape_cast %broadcast_in_dim3A_744 : vector<16x1xi32> to vector<16xi32>
    %gather3A_746 = tpu.dynamic_gather %scan3A_697#5[%gather3A_745] in [0] : vector<16xf32>, vector<16xi32> -> vector<16xf32>
    %add3A_747 = arith.addf %scan3A_697#5, %gather3A_746 : vector<16xf32>
    %broadcast_in_dim3A_748 = vector.shape_cast %xor3A_53 : vector<16xi32> to vector<16x1xi32>
    %gather3A_749 = vector.shape_cast %broadcast_in_dim3A_748 : vector<16x1xi32> to vector<16xi32>
    %gather3A_750 = tpu.dynamic_gather %scan3A_697#13[%gather3A_749] in [0] : vector<16xf32>, vector<16xi32> -> vector<16xf32>
    %add3A_751 = arith.addf %scan3A_697#13, %gather3A_750 : vector<16xf32>
    %select_n3A_752 = arith.select %eq3A_66, %add3A_747, %add3A_751 : vector<16xi1>, vector<16xf32>
    %broadcast_in_dim3A_753 = vector.shape_cast %xor3A_53 : vector<16xi32> to vector<16x1xi32>
    %gather3A_754 = vector.shape_cast %broadcast_in_dim3A_753 : vector<16x1xi32> to vector<16xi32>
    %gather3A_755 = tpu.dynamic_gather %scan3A_697#6[%gather3A_754] in [0] : vector<16xf32>, vector<16xi32> -> vector<16xf32>
    %add3A_756 = arith.addf %scan3A_697#6, %gather3A_755 : vector<16xf32>
    %broadcast_in_dim3A_757 = vector.shape_cast %xor3A_53 : vector<16xi32> to vector<16x1xi32>
    %gather3A_758 = vector.shape_cast %broadcast_in_dim3A_757 : vector<16x1xi32> to vector<16xi32>
    %gather3A_759 = tpu.dynamic_gather %scan3A_697#14[%gather3A_758] in [0] : vector<16xf32>, vector<16xi32> -> vector<16xf32>
    %add3A_760 = arith.addf %scan3A_697#14, %gather3A_759 : vector<16xf32>
    %select_n3A_761 = arith.select %eq3A_66, %add3A_756, %add3A_760 : vector<16xi1>, vector<16xf32>
    %broadcast_in_dim3A_762 = vector.shape_cast %xor3A_53 : vector<16xi32> to vector<16x1xi32>
    %gather3A_763 = vector.shape_cast %broadcast_in_dim3A_762 : vector<16x1xi32> to vector<16xi32>
    %gather3A_764 = tpu.dynamic_gather %scan3A_697#7[%gather3A_763] in [0] : vector<16xf32>, vector<16xi32> -> vector<16xf32>
    %add3A_765 = arith.addf %scan3A_697#7, %gather3A_764 : vector<16xf32>
    %broadcast_in_dim3A_766 = vector.shape_cast %xor3A_53 : vector<16xi32> to vector<16x1xi32>
    %gather3A_767 = vector.shape_cast %broadcast_in_dim3A_766 : vector<16x1xi32> to vector<16xi32>
    %gather3A_768 = tpu.dynamic_gather %scan3A_697#15[%gather3A_767] in [0] : vector<16xf32>, vector<16xi32> -> vector<16xf32>
    %add3A_769 = arith.addf %scan3A_697#15, %gather3A_768 : vector<16xf32>
    %select_n3A_770 = arith.select %eq3A_66, %add3A_765, %add3A_769 : vector<16xi1>, vector<16xf32>
    %broadcast_in_dim3A_771 = vector.shape_cast %xor3A_56 : vector<16xi32> to vector<16x1xi32>
    %gather3A_772 = vector.shape_cast %broadcast_in_dim3A_771 : vector<16x1xi32> to vector<16xi32>
    %gather3A_773 = tpu.dynamic_gather %select_n3A_707[%gather3A_772] in [0] : vector<16xf32>, vector<16xi32> -> vector<16xf32>
    %add3A_774 = arith.addf %select_n3A_707, %gather3A_773 : vector<16xf32>
    %broadcast_in_dim3A_775 = vector.shape_cast %xor3A_56 : vector<16xi32> to vector<16x1xi32>
    %gather3A_776 = vector.shape_cast %broadcast_in_dim3A_775 : vector<16x1xi32> to vector<16xi32>
    %gather3A_777 = tpu.dynamic_gather %select_n3A_743[%gather3A_776] in [0] : vector<16xf32>, vector<16xi32> -> vector<16xf32>
    %add3A_778 = arith.addf %select_n3A_743, %gather3A_777 : vector<16xf32>
    %select_n3A_779 = arith.select %eq3A_72, %add3A_774, %add3A_778 : vector<16xi1>, vector<16xf32>
    %broadcast_in_dim3A_780 = vector.shape_cast %xor3A_56 : vector<16xi32> to vector<16x1xi32>
    %gather3A_781 = vector.shape_cast %broadcast_in_dim3A_780 : vector<16x1xi32> to vector<16xi32>
    %gather3A_782 = tpu.dynamic_gather %select_n3A_716[%gather3A_781] in [0] : vector<16xf32>, vector<16xi32> -> vector<16xf32>
    %add3A_783 = arith.addf %select_n3A_716, %gather3A_782 : vector<16xf32>
    %broadcast_in_dim3A_784 = vector.shape_cast %xor3A_56 : vector<16xi32> to vector<16x1xi32>
    %gather3A_785 = vector.shape_cast %broadcast_in_dim3A_784 : vector<16x1xi32> to vector<16xi32>
    %gather3A_786 = tpu.dynamic_gather %select_n3A_752[%gather3A_785] in [0] : vector<16xf32>, vector<16xi32> -> vector<16xf32>
    %add3A_787 = arith.addf %select_n3A_752, %gather3A_786 : vector<16xf32>
    %select_n3A_788 = arith.select %eq3A_72, %add3A_783, %add3A_787 : vector<16xi1>, vector<16xf32>
    %broadcast_in_dim3A_789 = vector.shape_cast %xor3A_56 : vector<16xi32> to vector<16x1xi32>
    %gather3A_790 = vector.shape_cast %broadcast_in_dim3A_789 : vector<16x1xi32> to vector<16xi32>
    %gather3A_791 = tpu.dynamic_gather %select_n3A_725[%gather3A_790] in [0] : vector<16xf32>, vector<16xi32> -> vector<16xf32>
    %add3A_792 = arith.addf %select_n3A_725, %gather3A_791 : vector<16xf32>
    %broadcast_in_dim3A_793 = vector.shape_cast %xor3A_56 : vector<16xi32> to vector<16x1xi32>
    %gather3A_794 = vector.shape_cast %broadcast_in_dim3A_793 : vector<16x1xi32> to vector<16xi32>
    %gather3A_795 = tpu.dynamic_gather %select_n3A_761[%gather3A_794] in [0] : vector<16xf32>, vector<16xi32> -> vector<16xf32>
    %add3A_796 = arith.addf %select_n3A_761, %gather3A_795 : vector<16xf32>
    %select_n3A_797 = arith.select %eq3A_72, %add3A_792, %add3A_796 : vector<16xi1>, vector<16xf32>
    %broadcast_in_dim3A_798 = vector.shape_cast %xor3A_56 : vector<16xi32> to vector<16x1xi32>
    %gather3A_799 = vector.shape_cast %broadcast_in_dim3A_798 : vector<16x1xi32> to vector<16xi32>
    %gather3A_800 = tpu.dynamic_gather %select_n3A_734[%gather3A_799] in [0] : vector<16xf32>, vector<16xi32> -> vector<16xf32>
    %add3A_801 = arith.addf %select_n3A_734, %gather3A_800 : vector<16xf32>
    %broadcast_in_dim3A_802 = vector.shape_cast %xor3A_56 : vector<16xi32> to vector<16x1xi32>
    %gather3A_803 = vector.shape_cast %broadcast_in_dim3A_802 : vector<16x1xi32> to vector<16xi32>
    %gather3A_804 = tpu.dynamic_gather %select_n3A_770[%gather3A_803] in [0] : vector<16xf32>, vector<16xi32> -> vector<16xf32>
    %add3A_805 = arith.addf %select_n3A_770, %gather3A_804 : vector<16xf32>
    %select_n3A_806 = arith.select %eq3A_72, %add3A_801, %add3A_805 : vector<16xi1>, vector<16xf32>
    %broadcast_in_dim3A_807 = vector.shape_cast %xor3A_59 : vector<16xi32> to vector<16x1xi32>
    %gather3A_808 = vector.shape_cast %broadcast_in_dim3A_807 : vector<16x1xi32> to vector<16xi32>
    %gather3A_809 = tpu.dynamic_gather %select_n3A_779[%gather3A_808] in [0] : vector<16xf32>, vector<16xi32> -> vector<16xf32>
    %add3A_810 = arith.addf %select_n3A_779, %gather3A_809 : vector<16xf32>
    %broadcast_in_dim3A_811 = vector.shape_cast %xor3A_59 : vector<16xi32> to vector<16x1xi32>
    %gather3A_812 = vector.shape_cast %broadcast_in_dim3A_811 : vector<16x1xi32> to vector<16xi32>
    %gather3A_813 = tpu.dynamic_gather %select_n3A_797[%gather3A_812] in [0] : vector<16xf32>, vector<16xi32> -> vector<16xf32>
    %add3A_814 = arith.addf %select_n3A_797, %gather3A_813 : vector<16xf32>
    %select_n3A_815 = arith.select %eq3A_78, %add3A_810, %add3A_814 : vector<16xi1>, vector<16xf32>
    %broadcast_in_dim3A_816 = vector.shape_cast %xor3A_59 : vector<16xi32> to vector<16x1xi32>
    %gather3A_817 = vector.shape_cast %broadcast_in_dim3A_816 : vector<16x1xi32> to vector<16xi32>
    %gather3A_818 = tpu.dynamic_gather %select_n3A_788[%gather3A_817] in [0] : vector<16xf32>, vector<16xi32> -> vector<16xf32>
    %add3A_819 = arith.addf %select_n3A_788, %gather3A_818 : vector<16xf32>
    %broadcast_in_dim3A_820 = vector.shape_cast %xor3A_59 : vector<16xi32> to vector<16x1xi32>
    %gather3A_821 = vector.shape_cast %broadcast_in_dim3A_820 : vector<16x1xi32> to vector<16xi32>
    %gather3A_822 = tpu.dynamic_gather %select_n3A_806[%gather3A_821] in [0] : vector<16xf32>, vector<16xi32> -> vector<16xf32>
    %add3A_823 = arith.addf %select_n3A_806, %gather3A_822 : vector<16xf32>
    %select_n3A_824 = arith.select %eq3A_78, %add3A_819, %add3A_823 : vector<16xi1>, vector<16xf32>
    %broadcast_in_dim3A_825 = vector.shape_cast %xor3A_62 : vector<16xi32> to vector<16x1xi32>
    %gather3A_826 = vector.shape_cast %broadcast_in_dim3A_825 : vector<16x1xi32> to vector<16xi32>
    %gather3A_827 = tpu.dynamic_gather %select_n3A_815[%gather3A_826] in [0] : vector<16xf32>, vector<16xi32> -> vector<16xf32>
    %add3A_828 = arith.addf %select_n3A_815, %gather3A_827 : vector<16xf32>
    %broadcast_in_dim3A_829 = vector.shape_cast %xor3A_62 : vector<16xi32> to vector<16x1xi32>
    %gather3A_830 = vector.shape_cast %broadcast_in_dim3A_829 : vector<16x1xi32> to vector<16xi32>
    %gather3A_831 = tpu.dynamic_gather %select_n3A_824[%gather3A_830] in [0] : vector<16xf32>, vector<16xi32> -> vector<16xf32>
    %add3A_832 = arith.addf %select_n3A_824, %gather3A_831 : vector<16xf32>
    %select_n3A_833 = arith.select %eq3A_84, %add3A_828, %add3A_832 : vector<16xi1>, vector<16xf32>
    %add3A_834 = arith.addf %select_n3A_833, %get3A_51 : vector<16xf32>
    %swap3A_835 = arith.constant 48 : index
    %swap3A_836 = tpu.vector_load %arg11[%swap3A_835] {strides = array<i32>} : memref<64xf32, #tpu.memory_space<vmem>>, vector<16xf32>,
    %swap3A_837 = vector.shape_cast %swap3A_836 : vector<16xf32> to vector<16xf32>
    %swap3A_838 = vector.shape_cast %add3A_834 : vector<16xf32> to vector<16xf32>
    tpu.vector_store %arg11[%swap3A_835], %swap3A_838 {strides = array<i32>} : memref<64xf32, #tpu.memory_space<vmem>>, vector<16xf32>,
    "tpu.region"() ({
      %run_scoped3A = tpu.sem_alloc : memref<!tpu.dma_semaphore, #tpu.memory_space<semaphore_mem>>
      %dma_start3A_839 = tpu.memref_slice %arg6[%mul3A_2] : memref<2048xf32, #tpu.memory_space<hbm>> -> memref<64xf32, #tpu.memory_space<hbm>>
      %dma_start3A_840 = tpu.memref_slice %arg6[%mul3A_2] : memref<2048xf32, #tpu.memory_space<hbm>> -> memref<64xf32, #tpu.memory_space<hbm>>
      tpu.enqueue_dma source(%arg11 : memref<64xf32, #tpu.memory_space<vmem>>) target(%dma_start3A_840 : memref<64xf32, #tpu.memory_space<hbm>>) target_semaphore(%run_scoped3A : memref<!tpu.dma_semaphore, #tpu.memory_space<semaphore_mem>>)
      %dma_wait3A_841 = tpu.memref_slice %arg6[%mul3A_2] : memref<2048xf32, #tpu.memory_space<hbm>> -> memref<64xf32, #tpu.memory_space<hbm>>
      %dma_wait3A_842 = tpu.memref_slice %arg6[%mul3A_2] : memref<2048xf32, #tpu.memory_space<hbm>> -> memref<64xf32, #tpu.memory_space<hbm>>
      tpu.wait_dma2 semaphore(%run_scoped3A : memref<!tpu.dma_semaphore, #tpu.memory_space<semaphore_mem>>) src(%arg11 : memref<64xf32, #tpu.memory_space<vmem>>) dst(%dma_wait3A_842 : memref<64xf32, #tpu.memory_space<hbm>>)
      tpu.yield
    }) : () -> ()
    return
  }
}

</mosaic_0001>

<sc_bundles>
// kernel: kernel.3.cloned.1.call-start
scs
__scs_entry_jumppad:
0x0: {  	(pc) =	sbr.rel $0x88, $3  }
0x1: {  	(tag) =	ssettag $0x0;
	lr =	simm.s32 $0x1  }
0x2: {  	[smem:$0x3F9D] =	sst lr;
	_ =	strace $0xD0000000  }
0x3: {  	_ = 	snop  }
0x4: {  	_ = 	snop  }
0x5: {  	_ = 	snop  }
0x6: {  	_ = 	snop  }
0x7: {  	_ = 	snop  }
__scs_overlays_trampoline_lowered:
0x8: {  	[smem:$0x3FAC] =	sst s0  }
0x9: {  	[smem:$0x3FAD] =	sst s1  }
0xa: {  	[smem:$0x3FAE] =	sst s2  }
0xb: {  	[smem:$0x3FAF] =	sst s3  }
0xc: {  	[smem:$0x3FB0] =	sst s4  }
0xd: {  	[smem:$0x3FB1] =	sst s5  }
0xe: {  	[smem:$0x3FB2] =	sst s6  }
0xf: {  	[smem:$0x3FB3] =	sst s7  }
0x10: {  	[smem:$0x3FB4] =	sst s8  }
0x11: {  	[smem:$0x3FB5] =	sst s9;
	s0 =	simm.s32 @!p0 $0x0  }
0x12: {  	s1 =	sld [smem:$0x3F9B];
	s0 =	simm.s32 @p0 $0x1  }
0x13: {  	[smem:$0x3FB6] =	sst s0;
	s0 =	simm.s32 @!p1 $0x0  }
0x14: {  	s2 =	sld [smem:$0x3F9A];
	s0 =	simm.s32 @p1 $0x1  }
0x15: {  	[smem:$0x3FB7] =	sst s0;
	s0 =	simm.s32 @!p2 $0x0  }
0x16: {  	s3 =	sld [smem:$0x3FDB];
	s0 =	simm.s32 @p2 $0x1  }
0x17: {  	s4 =	simm.s32 $0x1BF5;
	[smem:$0x3FB9] =	sst s0  }
0x18: {  	s0 =	sld [smem:$0x3F9C];
	_ =	swait.ge [sflag:s4], $0x0  }
0x19: {  	s7 =	sld [smem:$0x3F9D]  }
0x1a: {  	s8 =	sadd.s32 $0xFFFFE003, lr  }
0x1b: {  	s9 =	sadd.s32 $0xFFFFFEF7, lr;
	s5 =	simm.s32 $0xFFFFFFFF;
	p2 =	slt.u32 s8, $0xFFFFF086  }
0x1c: {  	p1 =	slt.u32 s9, $0xF7A;
	s5 =	simm.s32 @!p2 $0x0  }
0x1d: {  	s5 =	simm.s32 @p1 $0x1;
	p0 =	seq.s32 s7, s2  }
0x1e: {  	s7 =	smul.u32 @!p0 $0xF7A, s2;
	p2 =	seq.s32 @!p0 s5, $0x0  }
0x1f: {  	s9 =	smul.u32 $0xF7A, s1;
	s8 =	simm.s32 @!p0 $0x1BF5;
	p2 =	por !p2, p0  }
0x20: {  	[sflag:s8] =	ssyncset.s32 @!p0 $0xFFFFF086;
	s6 =	sadd.s32 @!p0 s3, s7;
	s7 =	simm.s32 @!p0 $0x108  }
0x21: {  	s3 =	sadd.s32 s3, s9;
	s6 =	sadd.s32 @!p0 $0x88, s6;
	s7 =	simm.s32 @p2 $0x1082  }
0x22: {  	[simem:s7], [sflag:s8] =	dma.local @!p0 [hbm:s6], $0xF7A  }
0x23: {  	s9 =	sor.u32 $0xD0000000, s2;
	s6 =	simm.s32 $0x108;
	_ =	swait.ge @!p0 [sflag:s8], $0x0  }
0x24: {  	s3 =	sadd.s32 $0x88, s3;
	s6 =	simm.s32 @!p1 $0x1082;
	[sflag:s4] =	ssyncset.s32 $0xFFFFF086  }
0x25: {  	[simem:s6], [sflag:s4] =	dma.local [hbm:s3], $0xF7A  }
0x26: {  	[smem:$0x3F9D] =	sst s1;
	(tag) =	ssettag s2;
	_ =	strace s9  }
0x27: {  	s1 =	sld [smem:$0x3FAD]  }
0x28: {  	s2 =	sld [smem:$0x3FAE]  }
0x29: {  	s4 =	sld [smem:$0x3FB0]  }
0x2a: {  	p0 =	seq.s32 s5, $0x0;
	s5 =	sld [smem:$0x3FB1]  }
0x2b: {  	s6 =	sld [smem:$0x3FB2]  }
0x2c: {  	s7 =	sld [smem:$0x3FB3]  }
0x2d: {  	s3 =	simm.s32 $0x108;
	s8 =	sld [smem:$0x3FB4]  }
0x2e: {  	s3 =	simm.s32 @!p0 $0x1082;
	s9 =	sld [smem:$0x3FB5]  }
0x2f: {  	lr =	sadd.s32 s0, s3;
	s0 =	sld [smem:$0x3FAC]  }
0x30: {  	s3 =	sld [smem:$0x3FAF]  }
0x31: {  	[smem:$0x3FB8] =	sst s10  }
0x32: {  	s10 =	sld [smem:$0x3FB6];
	_ =	sdelay $0x3  }
0x33: {  	p0 =	seq.s32 s10, $0x1;
	s10 =	sld [smem:$0x3FB8];
	_ =	sdelay $0x3  }
0x34: {  	[smem:$0x3FB8] =	sst s10  }
0x35: {  	s10 =	sld [smem:$0x3FB7];
	_ =	sdelay $0x3  }
0x36: {  	p1 =	seq.s32 s10, $0x1;
	s10 =	sld [smem:$0x3FB8];
	_ =	sdelay $0x3  }
0x37: {  	[smem:$0x3FB8] =	sst s10  }
0x38: {  	s10 =	sld [smem:$0x3FB9]  }
0x39: {  	_ = 	snop;
	(pc) =	sbr.ind lr, $3  }
0x3a: {  	_ = 	snop  }
0x3b: {  	_ = 	snop  }
0x3c: {  	p2 =	seq.s32 s10, $0x1;
	s10 =	sld [smem:$0x3FB8]  }
0x3d: {  	_ =	shalt  }
0x3e: {  	_ =	shalt  }
0x3f: {  	_ =	shalt  }
0x40: {  	_ =	shalt  }
0x41: {  	_ =	shalt  }
0x42: {  	_ =	shalt  }
0x43: {  	_ =	shalt  }
0x44: {  	_ =	shalt  }
0x45: {  	_ =	shalt  }
0x46: {  	_ =	shalt  }
0x47: {  	_ =	shalt  }
0x48: {  	_ =	shalt  }
0x49: {  	_ =	shalt  }
0x4a: {  	_ =	shalt  }
0x4b: {  	_ =	shalt  }
0x4c: {  	_ =	shalt  }
0x4d: {  	_ =	shalt  }
0x4e: {  	_ =	shalt  }
0x4f: {  	_ =	shalt  }
0x50: {  	_ =	shalt  }
0x51: {  	_ =	shalt  }
0x52: {  	_ =	shalt  }
0x53: {  	_ =	shalt  }
0x54: {  	_ =	shalt  }
0x55: {  	_ =	shalt  }
0x56: {  	_ =	shalt  }
0x57: {  	_ =	shalt  }
0x58: {  	_ =	shalt  }
0x59: {  	_ =	shalt  }
0x5a: {  	_ =	shalt  }
0x5b: {  	_ =	shalt  }
0x5c: {  	_ =	shalt  }
0x5d: {  	_ =	shalt  }
0x5e: {  	_ =	shalt  }
0x5f: {  	_ =	shalt  }
0x60: {  	_ =	shalt  }
0x61: {  	_ =	shalt  }
0x62: {  	_ =	shalt  }
0x63: {  	_ =	shalt  }
0x64: {  	_ =	shalt  }
0x65: {  	_ =	shalt  }
0x66: {  	_ =	shalt  }
0x67: {  	_ =	shalt  }
0x68: {  	_ =	shalt  }
0x69: {  	_ =	shalt  }
0x6a: {  	_ =	shalt  }
0x6b: {  	_ =	shalt  }
0x6c: {  	_ =	shalt  }
0x6d: {  	_ =	shalt  }
0x6e: {  	_ =	shalt  }
0x6f: {  	_ =	shalt  }
0x70: {  	_ =	shalt  }
0x71: {  	_ =	shalt  }
0x72: {  	_ =	shalt  }
0x73: {  	_ =	shalt  }
0x74: {  	_ =	shalt  }
0x75: {  	_ =	shalt  }
0x76: {  	_ =	shalt  }
0x77: {  	_ =	shalt  }
0x78: {  	_ =	shalt  }
0x79: {  	_ =	shalt  }
0x7a: {  	_ =	shalt  }
0x7b: {  	_ =	shalt  }
0x7c: {  	_ =	shalt  }
0x7d: {  	_ =	shalt  }
0x7e: {  	_ =	shalt  }
0x7f: {  	_ =	shalt  }
0x80: {  	_ =	shalt  }
0x81: {  	_ =	shalt  }
0x82: {  	_ =	shalt  }
0x83: {  	_ =	shalt  }
0x84: {  	_ =	shalt  }
0x85: {  	_ =	shalt  }
0x86: {  	_ =	shalt  }
0x87: {  	_ =	shalt  }
.Lfunc_end0:
.L_simem_size_0:
called_computation_lowered:
.L_overlay_start_0:
0x88: {  	s2 =	sld [smem:$0x3FD9]  }
0x89: {  	s3 =	sld [smem:$0x3FFE];
	_ =	sdelay $0x1  }
0x8a: {  	s1 =	srdreg.scid  }
0x8b: {  	s0 =	sand.u32 $0x1, s1  }
0x8c: {  	s17 =	sshll.u32 s0, $0xA;
	s2 =	sadd.s32 s3, s2  }
0x8d: {  	s2 =	sadd.s32 s2, s17  }
0x8e: {  	[smem:$0x3FC4] =	sst s2  }
0x8f: {  	_ = 	snop  }
0x90: {  	s2 =	sld [smem:$0x3FC9]  }
0x91: {  	s18 =	sld [smem:$0x3FC7];
	(tm) =	ssettm $0x1  }
0x92: {  	s4 =	sld [smem:$0x3FFB];
	_ =	sdelay $0x3  }
0x93: {  	_ =	strace s4  }
0x94: {  	s4 =	sld [smem:$0x3FFC];
	_ =	sdelay $0x3  }
0x95: {  	_ =	strace s4  }
0x96: {  	s4 =	sld [smem:$0x3FFD];
	_ =	sdelay $0x3  }
0x97: {  	_ =	strace s4  }
0x98: {  	_ =	strace $0x8FFFFFFF  }
0x99: {  	s19 =	sld [smem:$0x3FDB];
	_ =	sdelay $0x1  }
0x9a: {  	s5 =	simm.s32 $_scs_section_size  }
0x9b: {  	s6 =	simm.s32 $_size__tile_overlayer_lowered;
	s7 =	simm.s32 $_tile_overlayer_lowered  }
0x9c: {  	s22 =	simm.s32 $0x1BFF;
	s21 =	sshll.u32 s7, $0x1;
	s4 =	sadd.s32 s5, s19  }
0x9d: {  	s8 =	simm.s32 $0x0;
	s20 =	sshll.u32 s6, $0x1;
	s6 =	sadd.s32 s21, s4  }
0x9e: {  	[timem:s8], [sflag:s22] =	dma.local [hbm:s6], s20  }
0x9f: {  	_ =	swait.ge [sflag:s22], s20  }
0xa0: {  	s5 =	ssub.s32 $0x0, s20;
	[sflag:s22] =	ssyncset.done $0x0  }
0xa1: {  	[sflag:s22] =	ssyncadd.s32 s5;
	_ =	sdelay $0x1  }
0xa2: {  	s23 =	simm.s32 $0x1B8B  }
0xa3: {  	_ =	swait.ge [sflag:s23], $0x1  }
0xa4: {  	[sflag:s23] =	ssyncset.done $0x0  }
0xa5: {  	s25 =	simm.s32 $0x1B8E;
	s24 =	sld [smem:$0x3FFE];
	[sflag:s23] =	ssyncadd.s32 $0xFFFFFFFF  }
0xa6: {  	s26 =	simm.s32 $execute0_lowered;
	[smem:$0x3FD2] =	sst s25  }
0xa7: {  	s6 =	sshll.u32 s26, $0x1;
	_ =	strace $0x80000046;
	[dreg:$0x1] =	wrdreg $0xFFFFFFFF  }
0xa8: {  	s28 =	simm.s32 $_size_execute0_lowered;
	s4 =	sadd.s32 s4, s6;
	[dreg:$0x0] =	wrdreg $0x0  }
0xa9: {  	s6 =	sshll.u32 s28, $0x1;
	[dreg:$0x2] =	wrdreg s4  }
0xaa: {  	[dreg:$0x3] =	wrdreg s6  }
0xab: {  	[dreg:$0x4] =	wrdreg $0xC0  }
0xac: {  	_ =	task [dreg:s8], $0x5FFFF  }
0xad: {  	[dreg:$0x1] =	wrdreg $0xFFFFFFFF  }
0xae: {  	[dreg:$0x0] =	wrdreg $0x60  }
0xaf: {  	[dreg:$0x2] =	wrdreg s2  }
0xb0: {  	[dreg:$0x3] =	wrdreg s24  }
0xb1: {  	[dreg:$0x4] =	wrdreg s18  }
0xb2: {  	[dreg:$0x5] =	wrdreg $0x9  }
0xb3: {  	_ =	task.clear_ibuf [dreg:s8], $0x6FFFF;
	_ =	strace $0x90000046  }
0xb4: {  	s29 =	simm.s32 $0x9;
	_ =	strace $0x80000048  }
0xb5: {  	_ =	swait.ge [sflag:s29], $0x1  }
0xb6: {  	[sflag:s29] =	ssyncadd.s32 $0xFFFFFFFF  }
0xb7: {  	_ =	strace $0x90000048  }
0xb8: {  	_ =	sfence  }
0xb9: {  	s30 =	sld [smem:$0x0];
	_ =	sdelay $0x2  }
0xba: {  	s31 =	sshll.u32 s1, $0xD;
	s1 =	sshrl.u32 s1, $0x2  }
0xbb: {  	s3 =	sand.u32 $0x4000, s31;
	s1 =	sadd.s32 s1, s30  }
0xbc: {  	s0 =	sor.u32 s3, s0;
	s1 =	sshll.u32 s1, $0x11  }
0xbd: {  	s0 =	sor.u32 s1, s0  }
0xbe: {  	s0 =	sadd.s32 $0x8F2B, s0  }
0xbf: {  	[sflag:s0] =	ssyncadd.remote.s32 $0x1  }
0xc0: {  	_ =	sfence.sel $0xFFFF  }
0xc1: {  	[dreg:$0x0] =	wrdreg $0xFFFFFFFF;
	(pc) =	sbr.abs _section_cstart, $3  }
0xc2: {  	[dreg:$0x1] =	wrdreg $0xFFFFFFFF  }
0xc3: {  	_ =	task.clear_ibuf [dreg:s8], $0x2FFFF;
	_ =	strace $0x9FFFFFFF  }
0xc4: {  	(tm) =	ssettm $0x7FFFFFFF  }
0xc5: {  	_ =	shalt  }
tec
execute0_lowered:
.L_overlay_start_1:
0x0: {  	(tag) =	ssettag $0x1  }
0x1: {  	v0 =	vimm.s32 $0xFEDCBA98;
	v1 =	vimm.s32 $0x76543210;
	v3 =	vlaneseq.u32  }
0x2: {  	v5 =	vimm.s32 $0x32107654;
	v7 =	vimm.s32 $0xDCFE98BA;
	v8 =	vimm.s32 $0x54761032  }
0x3: {  	vm1 =	vcmask $0x2F20;
	vm2 =	vcmask $0xF00;
	vm3 =	vcmask $0x700  }
0x4: {  	vm4 =	vcmask $0x300;
	v0 =	vunpack.c.l.s4.s8 v0;
	v1 =	vunpack.c.l.s4.s8 v1  }
0x5: {  	v5 =	vunpack.c.l.s4.s8 v5;
	vm1 =	vmor vm2, vm1;
	vm2 =	vcmask $0x1710  }
0x6: {  	v6 =	vshrl.u32 v3, $0x3;
	vm2 =	vmor vm3, vm2;
	vm3 =	vcmask $0x2720  }
0x7: {  	v2 =	vunpack.c.0.s8.s32 v0;
	v0 =	vimm.s32 $0xBA98FEDC;
	v1 =	vunpack.c.0.s8.s32 v1  }
0x8: {  	vm2 =	vmor vm2, vm3;
	vm3 =	vcmask $0x3730;
	v4 =	vunpack.c.l.s4.s8 v0  }
0x9: {  	s1 =	rddreg [dreg:$0x0];
	v5 =	vunpack.c.0.s8.s32 v5;
	vm2 =	vmor vm2, vm3;
	v2 =	vand.u32 $0xF, v2  }
0xa: {  	s0 =	rddreg [dreg:$0x1];
	s2 =	srdreg.scid;
	vm3 =	vcmask $0xB08;
	v1 =	vcombine.low v2, v1;
	v4 =	vunpack.c.0.s8.s32 v4  }
0xb: {  	s3 =	stileid.u32;
	s4 =	simm.s32 $0x0;
	s12 =	simm.s32 $0x5;
	v2 =	vmul.u32 $0x8, v6;
	v6 =	vunpack.c.l.s4.s8 v7;
	v7 =	vunpack.c.l.s4.s8 v8  }
0xc: {  	s17 =	simm.s32 $0xCA00;
	s18 =	simm.s32 $0xD200;
	s19 =	simm.s32 $0xDA00;
	vm3 =	vmor vm4, vm3;
	vm4 =	vcmask $0x1310  }
0xd: {  	s20 =	simm.s32 $0xE200;
	s21 =	simm.s32 $0xEA00;
	s22 =	simm.s32 $0xF200;
	v4 =	vcombine.low v5, v4;
	v5 =	vunpack.c.0.s8.s32 v6;
	v6 =	vunpack.c.0.s8.s32 v7  }
0xe: {  	vm0 =	vmmov $0xffff;
	s23 =	simm.s32 $0xFA00;
	s24 =	simm.s32 $0x10600;
	s25 =	simm.s32 $0x1;
	vm3 =	vmor vm3, vm4  }
0xf: {  	s26 =	simm.s32 $0x2;
	s28 =	simm.s32 $0x3;
	s29 =	simm.s32 $0x4;
	v7 =	vimm.s32 $0x67452301;
	v5 =	vcombine.low v6, v5;
	v6 =	vimm.s32 $0xEFCDAB89  }
0x10: {  	s30 =	simm.s32 $0x10680;
	s31 =	simm.s32 $0x0;
	s2 =	sand.u32 $0x1, s2;
	vm4 =	vcmask $0x1B18;
	v7 =	vunpack.c.l.s4.s8 v7;
	v6 =	vunpack.c.l.s4.s8 v6  }
0x11: {  	vm5 =	vcmask $0x2B28;
	s3 =	sshll.u32 s3, $0x1;
	[smem:$0x7FF] =	sst s4;
	s8 =	sadd.s32 $0x200, s1;
	v0 =	vand.u32 $0x7, v3;
	vm3 =	vmor vm3, vm4  }
0x12: {  	s9 =	sadd.s32 $0x300, s1;
	s3 =	sor.u32 s2, s3;
	_ =	strace $0x80000047;
	vm4 =	vcmask $0x2320;
	v7 =	vunpack.c.0.s8.s32 v7;
	v6 =	vunpack.c.0.s8.s32 v6  }
0x13: {  	s2 =	ssub.s32 $0x2, s2;
	s5 =	sshll.u32 s3, $0x6;
	s3 =	sshll.u32 s3, $0x3;
	v3 =	vor.u32 $0x8, v3;
	vm4 =	vmor vm3, vm4;
	vm3 =	vmmov $0xff  }
0x14: {  	s7 =	sshrl.u32 s2, $0x1;
	s6 =	sadd.s32 s5, s0;
	s5 =	sadd.s32 $0xC00, s0;
	vm4 =	vmor vm4, vm5;
	vm5 =	vcmask $0x3330;
	v6 =	vcombine.low v7, v6  }
0x15: {  	s0 =	sadd.s32 s3, s0;
	s2 =	ssub.s32 s2, s7;
	s7 =	sadd.s32 $0x100, s1;
	v4 =	vand.u32 $0xF, v4;
	vm4 =	vmor vm4, vm5;
	vm5 =	vcmask $0x3B38  }
0x16: {  	s6 =	sadd.s32 $0x400, s6;
	s10 =	sadd.s32 $0xE00, s0;
	s11 =	smax.u32 s2, $0x1;
	vm4 =	vmor vm4, vm5;
	v5 =	vand.u32 $0xF, v5;
	v6 =	vand.u32 $0xF, v6  }
.LBB2_1:
0x17: {  	[tilespmem:s4], [sflag:$0x5] =	stream.linear.gather [hbm4b:s6+s4], $0x200, $0x38;
	[tilespmem:$0x10700] =	vst v63  }
0x18: {  	_ =	swait.ge [sflag:s12], $0x200  }
0x19: {  	[sflag:s12] =	ssyncset.done $0x0  }
0x1a: {  	[sflag:s12] =	ssyncadd.s32 $0xFFFFFE00  }
0x1b: {  	v7 =	vld [tilespmem:$0x0];
	_ =	sdelay $0x4  }
0x1c: {  	v8 =	vshll.u32 v7, $0x3  }
0x1d: {  	v7 =	vand.u32 $0x7, v7;
	v8 =	vand.u32 $0xFFFFFFC0, v8  }
0x1e: {  	v7 =	vor.u32 v7, v8  }
0x1f: {  	v8 =	vperm.xlane v7, v0;
	_ =	sdelay $0x1  }
0x20: {  	v8 =	vadd.s32 v2, v8;
	_ =	sdelay $0x3  }
0x21: {  	s0 =	simm.s32 $0x200  }
0x22: {  	[tilespmem:s0], [sflag:$0x1] =	stream.indirect_vreg.gather [hbm4b:s1+s4], $0x80, v8, vm0, $0xb8;
	[tilespmem:$0x10700] =	vst v63  }
0x23: {  	s14 =	simm.s32 $0xA00;
	v7 =	vperm.xlane v7, v3  }
0x24: {  	[tilespmem:s14], [sflag:$0x1] =	stream.indirect_vreg.gather [hbm4b:s7+s4], $0x80, v8, vm0, $0xb8;
	[tilespmem:$0x10700] =	vst v63  }
0x25: {  	s15 =	simm.s32 $0x1200;
	v7 =	vadd.s32 v2, v7  }
0x26: {  	[tilespmem:s15], [sflag:$0x1] =	stream.indirect_vreg.gather [hbm4b:s8+s4], $0x80, v8, vm0, $0xb8;
	[tilespmem:$0x10700] =	vst v63  }
0x27: {  	s16 =	simm.s32 $0x1A00  }
0x28: {  	[tilespmem:s16], [sflag:$0x1] =	stream.indirect_vreg.gather [hbm4b:s9+s4], $0x80, v8, vm0, $0xb8;
	[tilespmem:$0x10700] =	vst v63  }
0x29: {  	s2 =	simm.s32 $0x2200  }
0x2a: {  	[tilespmem:s2], [sflag:$0x1] =	stream.indirect_vreg.gather [hbm4b:s1+s4], $0x80, v7, vm0, $0xb8;
	[tilespmem:$0x10700] =	vst v63  }
0x2b: {  	s3 =	simm.s32 $0x2A00  }
0x2c: {  	[tilespmem:s3], [sflag:$0x1] =	stream.indirect_vreg.gather [hbm4b:s7+s4], $0x80, v7, vm0, $0xb8;
	[tilespmem:$0x10700] =	vst v63  }
0x2d: {  	s13 =	simm.s32 $0x3200  }
0x2e: {  	[tilespmem:s13], [sflag:$0x1] =	stream.indirect_vreg.gather [hbm4b:s8+s4], $0x80, v7, vm0, $0xb8;
	[tilespmem:$0x10700] =	vst v63  }
0x2f: {  	s14 =	simm.s32 $0x3A00  }
0x30: {  	[tilespmem:s14], [sflag:$0x1] =	stream.indirect_vreg.gather [hbm4b:s9+s4], $0x80, v7, vm0, $0xb8;
	[tilespmem:$0x10700] =	vst v63  }
0x31: {  	v7 =	vld [tilespmem:$0x80];
	_ =	sdelay $0x4  }
0x32: {  	v8 =	vshll.u32 v7, $0x3  }
0x33: {  	v7 =	vand.u32 $0x7, v7;
	v8 =	vand.u32 $0xFFFFFFC0, v8  }
0x34: {  	v7 =	vor.u32 v7, v8  }
0x35: {  	v8 =	vperm.xlane v7, v0;
	_ =	sdelay $0x1  }
0x36: {  	v8 =	vadd.s32 v2, v8;
	_ =	sdelay $0x3  }
0x37: {  	s15 =	simm.s32 $0x4200  }
0x38: {  	[tilespmem:s15], [sflag:$0x2] =	stream.indirect_vreg.gather [hbm4b:s1+s4], $0x80, v8, vm0, $0xb8;
	[tilespmem:$0x10700] =	vst v63  }
0x39: {  	s16 =	simm.s32 $0x4A00;
	v7 =	vperm.xlane v7, v3  }
0x3a: {  	[tilespmem:s16], [sflag:$0x2] =	stream.indirect_vreg.gather [hbm4b:s7+s4], $0x80, v8, vm0, $0xb8;
	[tilespmem:$0x10700] =	vst v63  }
0x3b: {  	s2 =	simm.s32 $0x5200;
	v7 =	vadd.s32 v2, v7  }
0x3c: {  	[tilespmem:s2], [sflag:$0x2] =	stream.indirect_vreg.gather [hbm4b:s8+s4], $0x80, v8, vm0, $0xb8;
	[tilespmem:$0x10700] =	vst v63  }
0x3d: {  	s3 =	simm.s32 $0x5A00  }
0x3e: {  	[tilespmem:s3], [sflag:$0x2] =	stream.indirect_vreg.gather [hbm4b:s9+s4], $0x80, v8, vm0, $0xb8;
	[tilespmem:$0x10700] =	vst v63  }
0x3f: {  	s13 =	simm.s32 $0x6200  }
0x40: {  	[tilespmem:s13], [sflag:$0x2] =	stream.indirect_vreg.gather [hbm4b:s1+s4], $0x80, v7, vm0, $0xb8;
	[tilespmem:$0x10700] =	vst v63  }
0x41: {  	s14 =	simm.s32 $0x6A00  }
0x42: {  	[tilespmem:s14], [sflag:$0x2] =	stream.indirect_vreg.gather [hbm4b:s7+s4], $0x80, v7, vm0, $0xb8;
	[tilespmem:$0x10700] =	vst v63  }
0x43: {  	s15 =	simm.s32 $0x7200  }
0x44: {  	[tilespmem:s15], [sflag:$0x2] =	stream.indirect_vreg.gather [hbm4b:s8+s4], $0x80, v7, vm0, $0xb8;
	[tilespmem:$0x10700] =	vst v63  }
0x45: {  	s16 =	simm.s32 $0x7A00  }
0x46: {  	[tilespmem:s16], [sflag:$0x2] =	stream.indirect_vreg.gather [hbm4b:s9+s4], $0x80, v7, vm0, $0xb8;
	[tilespmem:$0x10700] =	vst v63  }
0x47: {  	v7 =	vld [tilespmem:$0x100];
	_ =	sdelay $0x4  }
0x48: {  	v8 =	vshll.u32 v7, $0x3  }
0x49: {  	v7 =	vand.u32 $0x7, v7;
	v8 =	vand.u32 $0xFFFFFFC0, v8  }
0x4a: {  	v7 =	vor.u32 v7, v8  }
0x4b: {  	v8 =	vperm.xlane v7, v0;
	_ =	sdelay $0x1  }
0x4c: {  	v8 =	vadd.s32 v2, v8;
	_ =	sdelay $0x3  }
0x4d: {  	s2 =	simm.s32 $0x8200  }
0x4e: {  	[tilespmem:s2], [sflag:$0x3] =	stream.indirect_vreg.gather [hbm4b:s1+s4], $0x80, v8, vm0, $0xb8;
	[tilespmem:$0x10700] =	vst v63  }
0x4f: {  	s3 =	simm.s32 $0x8A00;
	v7 =	vperm.xlane v7, v3  }
0x50: {  	[tilespmem:s3], [sflag:$0x3] =	stream.indirect_vreg.gather [hbm4b:s7+s4], $0x80, v8, vm0, $0xb8;
	[tilespmem:$0x10700] =	vst v63  }
0x51: {  	s13 =	simm.s32 $0x9200;
	v7 =	vadd.s32 v2, v7  }
0x52: {  	[tilespmem:s13], [sflag:$0x3] =	stream.indirect_vreg.gather [hbm4b:s8+s4], $0x80, v8, vm0, $0xb8;
	[tilespmem:$0x10700] =	vst v63  }
0x53: {  	s14 =	simm.s32 $0x9A00  }
0x54: {  	[tilespmem:s14], [sflag:$0x3] =	stream.indirect_vreg.gather [hbm4b:s9+s4], $0x80, v8, vm0, $0xb8;
	[tilespmem:$0x10700] =	vst v63  }
0x55: {  	s15 =	simm.s32 $0xA200  }
0x56: {  	[tilespmem:s15], [sflag:$0x3] =	stream.indirect_vreg.gather [hbm4b:s1+s4], $0x80, v7, vm0, $0xb8;
	[tilespmem:$0x10700] =	vst v63  }
0x57: {  	s16 =	simm.s32 $0xAA00  }
0x58: {  	[tilespmem:s16], [sflag:$0x3] =	stream.indirect_vreg.gather [hbm4b:s7+s4], $0x80, v7, vm0, $0xb8;
	[tilespmem:$0x10700] =	vst v63  }
0x59: {  	s2 =	simm.s32 $0xB200  }
0x5a: {  	[tilespmem:s2], [sflag:$0x3] =	stream.indirect_vreg.gather [hbm4b:s8+s4], $0x80, v7, vm0, $0xb8;
	[tilespmem:$0x10700] =	vst v63  }
0x5b: {  	s3 =	simm.s32 $0xBA00  }
0x5c: {  	[tilespmem:s3], [sflag:$0x3] =	stream.indirect_vreg.gather [hbm4b:s9+s4], $0x80, v7, vm0, $0xb8;
	[tilespmem:$0x10700] =	vst v63  }
0x5d: {  	v7 =	vld [tilespmem:$0x180];
	_ =	sdelay $0x4  }
0x5e: {  	v8 =	vshll.u32 v7, $0x3  }
0x5f: {  	v7 =	vand.u32 $0x7, v7;
	v8 =	vand.u32 $0xFFFFFFC0, v8  }
0x60: {  	v7 =	vor.u32 v7, v8  }
0x61: {  	v8 =	vperm.xlane v7, v0;
	_ =	sdelay $0x1  }
0x62: {  	v8 =	vadd.s32 v2, v8;
	_ =	sdelay $0x3  }
0x63: {  	s13 =	simm.s32 $0xC200  }
0x64: {  	[tilespmem:s13], [sflag:$0x4] =	stream.indirect_vreg.gather [hbm4b:s1+s4], $0x80, v8, vm0, $0xb8;
	[tilespmem:$0x10700] =	vst v63  }
0x65: {  	v7 =	vperm.xlane v7, v3  }
0x66: {  	[tilespmem:s17], [sflag:$0x4] =	stream.indirect_vreg.gather [hbm4b:s7+s4], $0x80, v8, vm0, $0xb8;
	[tilespmem:$0x10700] =	vst v63  }
0x67: {  	v7 =	vadd.s32 v2, v7  }
0x68: {  	[tilespmem:s18], [sflag:$0x4] =	stream.indirect_vreg.gather [hbm4b:s8+s4], $0x80, v8, vm0, $0xb8;
	[tilespmem:$0x10700] =	vst v63  }
0x69: {  	_ = 	snop  }
0x6a: {  	[tilespmem:s19], [sflag:$0x4] =	stream.indirect_vreg.gather [hbm4b:s9+s4], $0x80, v8, vm0, $0xb8;
	[tilespmem:$0x10700] =	vst v63  }
0x6b: {  	_ = 	snop  }
0x6c: {  	[tilespmem:s20], [sflag:$0x4] =	stream.indirect_vreg.gather [hbm4b:s1+s4], $0x80, v7, vm0, $0xb8;
	[tilespmem:$0x10700] =	vst v63  }
0x6d: {  	_ = 	snop  }
0x6e: {  	[tilespmem:s21], [sflag:$0x4] =	stream.indirect_vreg.gather [hbm4b:s7+s4], $0x80, v7, vm0, $0xb8;
	[tilespmem:$0x10700] =	vst v63  }
0x6f: {  	_ = 	snop  }
0x70: {  	[tilespmem:s22], [sflag:$0x4] =	stream.indirect_vreg.gather [hbm4b:s8+s4], $0x80, v7, vm0, $0xb8;
	[tilespmem:$0x10700] =	vst v63  }
0x71: {  	_ = 	snop  }
0x72: {  	[tilespmem:s23], [sflag:$0x4] =	stream.indirect_vreg.gather [hbm4b:s9+s4], $0x80, v7, vm0, $0xb8;
	[tilespmem:$0x10700] =	vst v63  }
0x73: {  	s14 =	simm.s32 $0x10200;
	s2 =	rddreg [dreg:$0x2]  }
0x74: {  	[tilespmem:s14], [sflag:$0x5] =	stream.linear.gather [hbm4b:s2+s4], $0x400, $0x38;
	[tilespmem:$0x10700] =	vst v63  }
0x75: {  	_ =	swait.ge [sflag:s12], $0x400  }
0x76: {  	[sflag:s12] =	ssyncset.done $0x0  }
0x77: {  	[sflag:s12] =	ssyncadd.s32 $0xFFFFFC00  }
0x78: {  	[tilespmem:s24], [sflag:$0x5] =	stream.linear.gather [hbm4b:s5+s4], $0x80, $0x38;
	[tilespmem:$0x10700] =	vst v63  }
0x79: {  	_ =	swait.ge [sflag:s12], $0x80  }
0x7a: {  	[sflag:s12] =	ssyncset.done $0x0  }
0x7b: {  	[sflag:s12] =	ssyncadd.s32 $0xFFFFFF80  }
0x7c: {  	v7 =	vld [tilespmem:$0x10600];
	_ =	swait.ge [sflag:s25], $0x4000  }
0x7d: {  	[sflag:s25] =	ssyncset.done $0x0  }
0x7e: {  	s15 =	sand.u32 $0x70, s4;
	s3 =	sand.u32 $0x1C00, s4;
	[sflag:s25] =	ssyncadd.s32 $0xFFFFC000  }
0x7f: {  	s13 =	sor.u32 s15, s3;
	v8 =	vld [tilespmem:s14+$0x0]  }
0x80: {  	v9 =	vld [tilespmem:s13+$0x2580]  }
0x81: {  	v10 =	vld [tilespmem:s13+$0x200]  }
0x82: {  	v11 =	vld [tilespmem:s13+$0x280]  }
0x83: {  	v12 =	vld [tilespmem:s13+$0x300]  }
0x84: {  	v13 =	vld [tilespmem:s13+$0x380]  }
0x85: {  	v14 =	vld [tilespmem:s13+$0x400]  }
0x86: {  	s16 =	sor.u32 s4, s4;
	v15 =	vld [tilespmem:s13+$0x480]  }
0x87: {  	s0 =	sor.u32 $0x380, s16;
	v17 =	vld [tilespmem:s13+$0x500]  }
0x88: {  	v19 =	vld [tilespmem:s0+$0x200]  }
0x89: {  	v20 =	vld [tilespmem:s13+$0x2200];
	v9 =	vmul.f32 v9, v8  }
0x8a: {  	v21 =	vld [tilespmem:s13+$0x2280];
	v10 =	vmul.f32 v10, v8;
	v11 =	vmul.f32 v11, v8  }
0x8b: {  	v18 =	vimm.f32 $0.0e+00;
	v12 =	vmul.f32 v12, v8;
	v13 =	vmul.f32 v13, v8  }
0x8c: {  	v24 =	vimm.f32 $0.0e+00;
	v14 =	vmul.f32 v14, v8;
	v15 =	vmul.f32 v15, v8  }
0x8d: {  	v23 =	vimm.f32 $0.0e+00;
	v22 =	vmul.f32 v17, v8;
	v19 =	vmul.f32 v19, v8  }
0x8e: {  	v27 =	vld [tilespmem:s13+$0x2300];
	v30 =	vmul.f32 v20, v8;
	v9 =	vadd.f32 v9, v18;
	v10 =	vadd.f32 v10, v18  }
0x8f: {  	v25 =	vld [tilespmem:s13+$0x2380];
	v31 =	vmul.f32 v21, v8;
	v11 =	vadd.f32 v11, v18;
	v16 =	vadd.f32 v12, v18  }
0x90: {  	v26 =	vld [tilespmem:s13+$0x2400];
	v21 =	vimm.f32 $0.0e+00;
	v17 =	vadd.f32 v13, v18;
	v12 =	vadd.f32 v14, v18  }
0x91: {  	s3 =	simm.s32 $0x10210;
	s2 =	simm.s32 $0x80;
	s0 =	simm.s32 $0x10;
	v28 =	vld [tilespmem:s13+$0x2480];
	v20 =	vimm.f32 $0.0e+00;
	v13 =	vadd.f32 v15, v18;
	v14 =	vadd.f32 v22, v18  }
0x92: {  	s16 =	sand.u32 $0x1C00, s2;
	v29 =	vld [tilespmem:s13+$0x2500];
	s13 =	simm.s32 $0x20;
	s15 =	sand.u32 $0x70, s0;
	v15 =	vadd.f32 v19, v18;
	v22 =	vimm.f32 $0.0e+00;
	v19 =	vimm.f32 $0.0e+00  }
.LBB2_2:
0x93: {  	p0 =	sne.s32 s13, $0x3F0;
	v32 =	vld [tilespmem:s3+$0x0];
	s14 =	sor.u32 s15, s16;
	s0 =	sor.u32 s2, s0;
	v18 =	vadd.f32 v30, v18;
	v27 =	vmul.f32 v27, v8  }
0x94: {  	s15 =	sor.u32 $0x380, s0;
	v30 =	vld [tilespmem:s14+$0x2580];
	v21 =	vadd.f32 v31, v21;
	v25 =	vmul.f32 v25, v8;
	s0 =	smov.u32 s13  }
0x95: {  	v31 =	vld [tilespmem:s14+$0x200];
	v22 =	vadd.f32 v27, v22;
	v26 =	vmul.f32 v26, v8  }
0x96: {  	v27 =	vld [tilespmem:s14+$0x280];
	v20 =	vadd.f32 v25, v20;
	v25 =	vmul.f32 v28, v8  }
0x97: {  	v28 =	vld [tilespmem:s14+$0x300];
	v24 =	vadd.f32 v26, v24;
	v26 =	vmul.f32 v29, v8  }
0x98: {  	v29 =	vld [tilespmem:s14+$0x380];
	v23 =	vadd.f32 v25, v23;
	v8 =	vmov v32  }
0x99: {  	v25 =	vld [tilespmem:s14+$0x400];
	v30 =	vmul.f32 v30, v8;
	v19 =	vadd.f32 v26, v19  }
0x9a: {  	v26 =	vmul.f32 v31, v8;
	v31 =	vld [tilespmem:s14+$0x480]  }
0x9b: {  	v27 =	vmul.f32 v27, v8;
	v32 =	vld [tilespmem:s14+$0x500];
	v9 =	vadd.f32 v30, v9  }
0x9c: {  	v10 =	vadd.f32 v26, v10;
	v26 =	vmul.f32 v28, v8;
	v28 =	vld [tilespmem:s15+$0x200]  }
0x9d: {  	v11 =	vadd.f32 v27, v11;
	v27 =	vmul.f32 v29, v8;
	v29 =	vld [tilespmem:s14+$0x2200]  }
0x9e: {  	v16 =	vadd.f32 v26, v16;
	v25 =	vmul.f32 v25, v8;
	v33 =	vld [tilespmem:s14+$0x2280]  }
.Ltmp0:
0x9f: {  	v17 =	vadd.f32 v27, v17;
	v26 =	vmul.f32 v31, v8;
	v27 =	vld [tilespmem:s14+$0x2300];
	(pc) =	sbr.rel @p0 .LBB2_2-.Ltmp0, $4  }
0xa0: {  	v12 =	vadd.f32 v25, v12;
	v30 =	vmul.f32 v32, v8;
	v25 =	vld [tilespmem:s14+$0x2380]  }
0xa1: {  	v13 =	vadd.f32 v26, v13;
	v31 =	vmul.f32 v28, v8;
	v26 =	vld [tilespmem:s14+$0x2400]  }
0xa2: {  	s2 =	sadd.s32 $0x80, s2;
	s3 =	sadd.s32 $0x10, s3;
	v14 =	vadd.f32 v30, v14;
	v30 =	vmul.f32 v29, v8;
	v28 =	vld [tilespmem:s14+$0x2480]  }
0xa3: {  	s16 =	sand.u32 $0x1C00, s2;
	s13 =	sadd.s32 $0x10, s13;
	s15 =	sand.u32 $0x70, s0;
	v15 =	vadd.f32 v31, v15;
	v31 =	vmul.f32 v33, v8;
	v29 =	vld [tilespmem:s14+$0x2500]  }
0xa4: {  	v32 =	vld [tilespmem:s3+$0x0];
	s16 =	sor.u32 s15, s16  }
0xa5: {  	v33 =	vld [tilespmem:s16+$0x2580]  }
0xa6: {  	v34 =	vld [tilespmem:s16+$0x200]  }
0xa7: {  	v35 =	vld [tilespmem:s16+$0x280]  }
0xa8: {  	v36 =	vld [tilespmem:s16+$0x300]  }
0xa9: {  	v37 =	vld [tilespmem:s16+$0x380]  }
0xaa: {  	v38 =	vld [tilespmem:s16+$0x400]  }
0xab: {  	v27 =	vmul.f32 v27, v8;
	v39 =	vld [tilespmem:s16+$0x480]  }
0xac: {  	v18 =	vadd.f32 v30, v18;
	v40 =	vld [tilespmem:s16+$0x500];
	v25 =	vmul.f32 v25, v8;
	v26 =	vmul.f32 v26, v8  }
0xad: {  	s0 =	sor.u32 s2, s0;
	v21 =	vadd.f32 v31, v21;
	v22 =	vadd.f32 v27, v22;
	v27 =	vmul.f32 v28, v8;
	v28 =	vld [tilespmem:s16+$0x2200]  }
0xae: {  	s0 =	sor.u32 $0x380, s0;
	v20 =	vadd.f32 v25, v20;
	v25 =	vld [tilespmem:s16+$0x2280];
	v24 =	vadd.f32 v26, v24;
	v8 =	vmul.f32 v29, v8  }
0xaf: {  	v30 =	vld [tilespmem:s0+$0x200];
	v23 =	vadd.f32 v27, v23;
	v26 =	vmul.f32 v33, v32;
	v27 =	vmul.f32 v34, v32  }
0xb0: {  	v61 =	vld [tilespmem:s16+$0x2380];
	v8 =	vadd.f32 v8, v19;
	v19 =	vmul.f32 v35, v32;
	v31 =	vmul.f32 v36, v32  }
0xb1: {  	v29 =	vld [tilespmem:s16+$0x2300];
	v62 =	vmul.f32 v40, v32;
	v9 =	vadd.f32 v26, v9;
	v10 =	vadd.f32 v27, v10  }
0xb2: {  	v63 =	vld [tilespmem:s16+$0x2500];
	v26 =	vmul.f32 v37, v32;
	v11 =	vadd.f32 v19, v11;
	v19 =	vmul.f32 v38, v32  }
0xb3: {  	v16 =	vadd.f32 v31, v16;
	v31 =	vld [tilespmem:s16+$0x2480];
	v28 =	vmul.f32 v28, v32;
	v25 =	vmul.f32 v25, v32  }
0xb4: {  	v27 =	vld [tilespmem:s16+$0x2400];
	v14 =	vadd.f32 v62, v14;
	v12 =	vadd.f32 v19, v12;
	v19 =	vmul.f32 v30, v32  }
0xb5: {  	v17 =	vadd.f32 v26, v17;
	v21 =	vadd.f32 v25, v21;
	v25 =	vmul.f32 v61, v32  }
0xb6: {  	v26 =	vmul.f32 v39, v32;
	v15 =	vadd.f32 v19, v15;
	v19 =	vmul.f32 v29, v32  }
0xb7: {  	v18 =	vadd.f32 v28, v18;
	v20 =	vadd.f32 v25, v20;
	v25 =	vperm.xlane v10, v1  }
0xb8: {  	v13 =	vadd.f32 v26, v13;
	v19 =	vadd.f32 v19, v22;
	v22 =	vmul.f32 v31, v32  }
0xb9: {  	v26 =	vmul.f32 v27, v32;
	v27 =	vmul.f32 v63, v32;
	v10 =	vadd.f32 v25, v10  }
0xba: {  	v25 =	vperm.xlane v11, v1;
	v22 =	vadd.f32 v22, v23;
	v23 =	vperm.xlane v18, v1  }
0xbb: {  	v24 =	vadd.f32 v26, v24;
	v8 =	vadd.f32 v27, v8;
	v26 =	vperm.xlane v21, v1  }
0xbc: {  	v27 =	vperm.xlane v19, v1;
	v18 =	vadd.f32 v23, v18;
	v23 =	vperm.xlane v16, v1  }
0xbd: {  	v11 =	vadd.f32 v25, v11;
	v21 =	vadd.f32 v26, v21  }
0xbe: {  	v10 =	vsel vm3, v10, v18;
	v16 =	vadd.f32 v23, v16;
	v18 =	vadd.f32 v27, v19  }
0xbf: {  	v11 =	vsel vm3, v11, v21;
	v21 =	vperm.xlane v20, v1;
	v19 =	vperm.xlane v17, v1  }
0xc0: {  	v23 =	vperm.xlane v24, v1;
	v16 =	vsel vm3, v16, v18;
	v18 =	vperm.xlane v12, v1  }
0xc1: {  	v17 =	vadd.f32 v19, v17;
	v19 =	vadd.f32 v21, v20;
	v20 =	vperm.xlane v13, v1  }
0xc2: {  	v21 =	vperm.xlane v22, v1;
	v12 =	vadd.f32 v18, v12;
	v18 =	vadd.f32 v23, v24  }
0xc3: {  	v13 =	vadd.f32 v20, v13;
	v20 =	vperm.xlane v14, v1;
	v23 =	vperm.xlane v8, v1  }
0xc4: {  	v21 =	vadd.f32 v21, v22;
	v22 =	vperm.xlane v15, v1;
	v24 =	vperm.xlane v9, v1  }
0xc5: {  	v17 =	vsel vm3, v17, v19;
	v14 =	vadd.f32 v20, v14;
	v8 =	vadd.f32 v23, v8  }
0xc6: {  	v12 =	vsel vm3, v12, v18;
	v15 =	vadd.f32 v22, v15;
	v9 =	vadd.f32 v24, v9  }
0xc7: {  	v13 =	vsel vm3, v13, v21;
	v18 =	vperm.xlane v10, v4;
	v19 =	vperm.xlane v12, v4  }
0xc8: {  	v8 =	vsel vm3, v14, v8;
	v9 =	vsel vm3, v15, v9;
	v14 =	vperm.xlane v11, v4  }
0xc9: {  	v10 =	vadd.f32 v18, v10;
	v15 =	vperm.xlane v13, v4;
	v12 =	vadd.f32 v19, v12  }
0xca: {  	v18 =	vperm.xlane v8, v4;
	v19 =	vperm.xlane v9, v4;
	v11 =	vadd.f32 v14, v11  }
0xcb: {  	v14 =	vperm.xlane v16, v4;
	v13 =	vadd.f32 v15, v13;
	v15 =	vperm.xlane v17, v4  }
0xcc: {  	v8 =	vadd.f32 v18, v8;
	v9 =	vadd.f32 v19, v9  }
0xcd: {  	v10 =	vsel vm1, v10, v12;
	v14 =	vadd.f32 v14, v16;
	v15 =	vadd.f32 v15, v17  }
0xce: {  	v11 =	vsel vm1, v11, v13;
	v12 =	vperm.xlane v10, v5  }
0xcf: {  	v8 =	vsel vm1, v14, v8;
	v9 =	vsel vm1, v15, v9;
	v14 =	vperm.xlane v11, v5  }
0xd0: {  	v13 =	vperm.xlane v8, v5;
	v15 =	vperm.xlane v9, v5  }
0xd1: {  	v10 =	vadd.f32 v12, v10;
	v11 =	vadd.f32 v14, v11  }
0xd2: {  	v8 =	vadd.f32 v13, v8;
	v9 =	vadd.f32 v15, v9;
	_ =	sdelay $0x1  }
0xd3: {  	v8 =	vsel vm2, v10, v8;
	v9 =	vsel vm2, v11, v9  }
0xd4: {  	v10 =	vperm.xlane v8, v6;
	v11 =	vperm.xlane v9, v6;
	_ =	sdelay $0x1  }
0xd5: {  	v8 =	vadd.f32 v10, v8;
	v9 =	vadd.f32 v11, v9;
	_ =	sdelay $0x1  }
0xd6: {  	v8 =	vsel vm4, v8, v9  }
0xd7: {  	v8 =	vadd.f32 v8, v7;
	_ =	sdelay $0x1  }
0xd8: {  	[tilespmem:$0x10680] =	vst v8  }
0xd9: {  	_ =	swait.ge [sflag:s26], $0x4000  }
0xda: {  	s13 =	simm.s32 $0x0;
	s14 =	simm.s32 $0x10200;
	[sflag:s26] =	ssyncset.done $0x0  }
0xdb: {  	s15 =	sand.u32 $0x70, s13;
	s0 =	sand.u32 $0x1C00, s13;
	[sflag:s26] =	ssyncadd.s32 $0xFFFFC000  }
0xdc: {  	s13 =	sor.u32 s15, s0;
	v8 =	vld [tilespmem:s14+$0x0]  }
0xdd: {  	v9 =	vld [tilespmem:s13+$0x6580]  }
0xde: {  	v10 =	vld [tilespmem:s13+$0x4200]  }
0xdf: {  	v11 =	vld [tilespmem:s13+$0x4280]  }
0xe0: {  	v12 =	vld [tilespmem:s13+$0x4300]  }
0xe1: {  	v13 =	vld [tilespmem:s13+$0x4380]  }
0xe2: {  	v14 =	vld [tilespmem:s13+$0x4400]  }
0xe3: {  	v15 =	vld [tilespmem:s13+$0x4480]  }
0xe4: {  	v17 =	vld [tilespmem:s13+$0x4500]  }
0xe5: {  	v19 =	vld [tilespmem:s13+$0x4580]  }
0xe6: {  	v20 =	vld [tilespmem:s13+$0x6200];
	v9 =	vmul.f32 v9, v8  }
0xe7: {  	v21 =	vld [tilespmem:s13+$0x6280];
	v10 =	vmul.f32 v10, v8;
	v11 =	vmul.f32 v11, v8  }
0xe8: {  	v24 =	vimm.f32 $0.0e+00;
	v12 =	vmul.f32 v12, v8;
	v13 =	vmul.f32 v13, v8  }
0xe9: {  	v23 =	vimm.f32 $0.0e+00;
	v14 =	vmul.f32 v14, v8;
	v15 =	vmul.f32 v15, v8  }
0xea: {  	v18 =	vimm.f32 $0.0e+00;
	v22 =	vmul.f32 v17, v8;
	v19 =	vmul.f32 v19, v8  }
0xeb: {  	v25 =	vld [tilespmem:s13+$0x6300];
	v30 =	vmul.f32 v20, v8;
	v9 =	vadd.f32 v9, v18;
	v10 =	vadd.f32 v10, v18  }
0xec: {  	v26 =	vld [tilespmem:s13+$0x6380];
	v31 =	vmul.f32 v21, v8;
	v11 =	vadd.f32 v11, v18;
	v16 =	vadd.f32 v12, v18  }
0xed: {  	v27 =	vld [tilespmem:s13+$0x6400];
	v21 =	vimm.f32 $0.0e+00;
	v17 =	vadd.f32 v13, v18;
	v12 =	vadd.f32 v14, v18  }
0xee: {  	s2 =	simm.s32 $0x80;
	s3 =	simm.s32 $0x20;
	s16 =	simm.s32 $0x10;
	v28 =	vld [tilespmem:s13+$0x6480];
	v20 =	vimm.f32 $0.0e+00;
	v13 =	vadd.f32 v15, v18;
	v14 =	vadd.f32 v22, v18  }
0xef: {  	s0 =	simm.s32 $0x10210;
	s15 =	sand.u32 $0x1C00, s2;
	s14 =	sand.u32 $0x70, s16;
	v29 =	vld [tilespmem:s13+$0x6500];
	v15 =	vadd.f32 v19, v18;
	v22 =	vimm.f32 $0.0e+00;
	v19 =	vimm.f32 $0.0e+00  }
.LBB2_4:
0xf0: {  	p0 =	sne.s32 s3, $0x3F0;
	v32 =	vld [tilespmem:s0+$0x0];
	s13 =	sor.u32 s14, s15;
	v18 =	vadd.f32 v30, v18;
	v25 =	vmul.f32 v25, v8  }
0xf1: {  	v30 =	vld [tilespmem:s13+$0x6580];
	v21 =	vadd.f32 v31, v21;
	v26 =	vmul.f32 v26, v8  }
0xf2: {  	v31 =	vld [tilespmem:s13+$0x4200];
	v22 =	vadd.f32 v25, v22;
	v25 =	vmul.f32 v27, v8  }
0xf3: {  	v27 =	vld [tilespmem:s13+$0x4280];
	v20 =	vadd.f32 v26, v20;
	v26 =	vmul.f32 v28, v8  }
0xf4: {  	v28 =	vld [tilespmem:s13+$0x4300];
	v24 =	vadd.f32 v25, v24;
	v25 =	vmul.f32 v29, v8  }
0xf5: {  	v29 =	vld [tilespmem:s13+$0x4380];
	v23 =	vadd.f32 v26, v23;
	v8 =	vmov v32  }
0xf6: {  	v26 =	vld [tilespmem:s13+$0x4400];
	v30 =	vmul.f32 v30, v8;
	v19 =	vadd.f32 v25, v19  }
0xf7: {  	v25 =	vmul.f32 v31, v8;
	v31 =	vld [tilespmem:s13+$0x4480]  }
0xf8: {  	v27 =	vmul.f32 v27, v8;
	v32 =	vld [tilespmem:s13+$0x4500];
	v9 =	vadd.f32 v30, v9  }
0xf9: {  	v10 =	vadd.f32 v25, v10;
	v25 =	vmul.f32 v28, v8;
	v28 =	vld [tilespmem:s13+$0x4580]  }
0xfa: {  	v11 =	vadd.f32 v27, v11;
	v27 =	vmul.f32 v29, v8;
	v29 =	vld [tilespmem:s13+$0x6200]  }
0xfb: {  	v16 =	vadd.f32 v25, v16;
	v26 =	vmul.f32 v26, v8;
	v33 =	vld [tilespmem:s13+$0x6280]  }
.Ltmp1:
0xfc: {  	v17 =	vadd.f32 v27, v17;
	v27 =	vmul.f32 v31, v8;
	v25 =	vld [tilespmem:s13+$0x6300];
	(pc) =	sbr.rel @p0 .LBB2_4-.Ltmp1, $4  }
0xfd: {  	v12 =	vadd.f32 v26, v12;
	v30 =	vmul.f32 v32, v8;
	v26 =	vld [tilespmem:s13+$0x6380]  }
0xfe: {  	v13 =	vadd.f32 v27, v13;
	v31 =	vmul.f32 v28, v8;
	v27 =	vld [tilespmem:s13+$0x6400]  }
0xff: {  	s2 =	sadd.s32 $0x80, s2;
	s0 =	sadd.s32 $0x10, s0;
	v14 =	vadd.f32 v30, v14;
	v30 =	vmul.f32 v29, v8;
	v28 =	vld [tilespmem:s13+$0x6480]  }
0x100: {  	s14 =	sand.u32 $0x70, s3;
	s3 =	sadd.s32 $0x10, s3;
	s15 =	sand.u32 $0x1C00, s2;
	v15 =	vadd.f32 v31, v15;
	v31 =	vmul.f32 v33, v8;
	v29 =	vld [tilespmem:s13+$0x6500]  }
0x101: {  	v32 =	vld [tilespmem:s0+$0x0];
	s14 =	sor.u32 s14, s15  }
0x102: {  	v33 =	vld [tilespmem:s14+$0x6580]  }
0x103: {  	v34 =	vld [tilespmem:s14+$0x4200]  }
0x104: {  	v35 =	vld [tilespmem:s14+$0x4280]  }
0x105: {  	v36 =	vld [tilespmem:s14+$0x4300]  }
0x106: {  	v37 =	vld [tilespmem:s14+$0x4380]  }
0x107: {  	v38 =	vld [tilespmem:s14+$0x4400]  }
0x108: {  	v39 =	vld [tilespmem:s14+$0x4480]  }
0x109: {  	v25 =	vmul.f32 v25, v8;
	v40 =	vld [tilespmem:s14+$0x4500]  }
0x10a: {  	v18 =	vadd.f32 v30, v18;
	v26 =	vmul.f32 v26, v8;
	v30 =	vld [tilespmem:s14+$0x4580];
	v27 =	vmul.f32 v27, v8  }
0x10b: {  	v21 =	vadd.f32 v31, v21;
	v61 =	vld [tilespmem:s14+$0x6380];
	v22 =	vadd.f32 v25, v22;
	v25 =	vmul.f32 v28, v8  }
0x10c: {  	v63 =	vld [tilespmem:s14+$0x6500];
	v20 =	vadd.f32 v26, v20;
	v24 =	vadd.f32 v27, v24;
	v8 =	vmul.f32 v29, v8  }
0x10d: {  	v28 =	vld [tilespmem:s14+$0x6200];
	v23 =	vadd.f32 v25, v23;
	v25 =	vmul.f32 v33, v32;
	v27 =	vmul.f32 v34, v32  }
0x10e: {  	v26 =	vld [tilespmem:s14+$0x6280];
	v8 =	vadd.f32 v8, v19;
	v19 =	vmul.f32 v35, v32;
	v31 =	vmul.f32 v36, v32  }
0x10f: {  	v29 =	vld [tilespmem:s14+$0x6300];
	v62 =	vmul.f32 v40, v32;
	v9 =	vadd.f32 v25, v9;
	v25 =	vmul.f32 v37, v32  }
0x110: {  	v10 =	vadd.f32 v27, v10;
	v27 =	vld [tilespmem:s14+$0x6400];
	v11 =	vadd.f32 v19, v11;
	v19 =	vmul.f32 v38, v32  }
0x111: {  	v16 =	vadd.f32 v31, v16;
	v31 =	vld [tilespmem:s14+$0x6480];
	v17 =	vadd.f32 v25, v17;
	v25 =	vmul.f32 v39, v32  }
0x112: {  	v28 =	vmul.f32 v28, v32;
	v12 =	vadd.f32 v19, v12;
	v19 =	vmul.f32 v30, v32  }
0x113: {  	v14 =	vadd.f32 v62, v14;
	v13 =	vadd.f32 v25, v13;
	v25 =	vmul.f32 v26, v32  }
0x114: {  	v18 =	vadd.f32 v28, v18;
	v15 =	vadd.f32 v19, v15;
	v19 =	vmul.f32 v29, v32  }
0x115: {  	v26 =	vmul.f32 v27, v32;
	v21 =	vadd.f32 v25, v21;
	v25 =	vmul.f32 v61, v32  }
0x116: {  	v27 =	vmul.f32 v63, v32;
	v19 =	vadd.f32 v19, v22;
	v22 =	vmul.f32 v31, v32  }
0x117: {  	v24 =	vadd.f32 v26, v24;
	v20 =	vadd.f32 v25, v20;
	v25 =	vperm.xlane v10, v1  }
0x118: {  	v8 =	vadd.f32 v27, v8;
	v22 =	vadd.f32 v22, v23;
	v23 =	vperm.xlane v18, v1  }
0x119: {  	v26 =	vperm.xlane v21, v1;
	v10 =	vadd.f32 v25, v10;
	v25 =	vperm.xlane v11, v1  }
0x11a: {  	v27 =	vperm.xlane v19, v1;
	v18 =	vadd.f32 v23, v18;
	v23 =	vperm.xlane v16, v1  }
0x11b: {  	v21 =	vadd.f32 v26, v21;
	v11 =	vadd.f32 v25, v11  }
0x11c: {  	v10 =	vsel vm3, v10, v18;
	v16 =	vadd.f32 v23, v16;
	v18 =	vadd.f32 v27, v19  }
0x11d: {  	v19 =	vperm.xlane v17, v1;
	v11 =	vsel vm3, v11, v21;
	v21 =	vperm.xlane v20, v1  }
0x11e: {  	v23 =	vperm.xlane v24, v1;
	v16 =	vsel vm3, v16, v18;
	v18 =	vperm.xlane v12, v1  }
0x11f: {  	v17 =	vadd.f32 v19, v17;
	v19 =	vadd.f32 v21, v20;
	v20 =	vperm.xlane v13, v1  }
0x120: {  	v12 =	vadd.f32 v18, v12;
	v18 =	vadd.f32 v23, v24;
	v21 =	vperm.xlane v22, v1  }
0x121: {  	v23 =	vperm.xlane v8, v1;
	v24 =	vperm.xlane v9, v1;
	v13 =	vadd.f32 v20, v13  }
0x122: {  	v20 =	vperm.xlane v14, v1;
	v21 =	vadd.f32 v21, v22;
	v22 =	vperm.xlane v15, v1  }
0x123: {  	v17 =	vsel vm3, v17, v19;
	v8 =	vadd.f32 v23, v8;
	v12 =	vsel vm3, v12, v18  }
0x124: {  	v9 =	vadd.f32 v24, v9;
	v18 =	vperm.xlane v10, v4;
	v14 =	vadd.f32 v20, v14  }
0x125: {  	v19 =	vperm.xlane v12, v4;
	v15 =	vadd.f32 v22, v15;
	v13 =	vsel vm3, v13, v21  }
0x126: {  	v10 =	vadd.f32 v18, v10;
	v8 =	vsel vm3, v14, v8;
	v14 =	vperm.xlane v11, v4  }
0x127: {  	v12 =	vadd.f32 v19, v12;
	v9 =	vsel vm3, v15, v9;
	v15 =	vperm.xlane v13, v4  }
0x128: {  	v18 =	vperm.xlane v8, v4;
	v19 =	vperm.xlane v9, v4;
	v11 =	vadd.f32 v14, v11  }
0x129: {  	v14 =	vperm.xlane v16, v4;
	v13 =	vadd.f32 v15, v13;
	v15 =	vperm.xlane v17, v4  }
0x12a: {  	v8 =	vadd.f32 v18, v8;
	v9 =	vadd.f32 v19, v9  }
0x12b: {  	v10 =	vsel vm1, v10, v12;
	v14 =	vadd.f32 v14, v16;
	v15 =	vadd.f32 v15, v17  }
0x12c: {  	v12 =	vperm.xlane v10, v5;
	v11 =	vsel vm1, v11, v13  }
0x12d: {  	v8 =	vsel vm1, v14, v8;
	v9 =	vsel vm1, v15, v9;
	v14 =	vperm.xlane v11, v5  }
0x12e: {  	v13 =	vperm.xlane v8, v5;
	v15 =	vperm.xlane v9, v5  }
0x12f: {  	v10 =	vadd.f32 v12, v10;
	v11 =	vadd.f32 v14, v11  }
0x130: {  	v8 =	vadd.f32 v13, v8;
	v9 =	vadd.f32 v15, v9;
	_ =	sdelay $0x1  }
0x131: {  	v8 =	vsel vm2, v10, v8;
	v9 =	vsel vm2, v11, v9  }
0x132: {  	v10 =	vperm.xlane v8, v6;
	v11 =	vperm.xlane v9, v6;
	_ =	sdelay $0x1  }
0x133: {  	v8 =	vadd.f32 v10, v8;
	v9 =	vadd.f32 v11, v9;
	_ =	sdelay $0x1  }
0x134: {  	v8 =	vsel vm4, v8, v9  }
0x135: {  	v8 =	vadd.f32 v8, v7;
	_ =	sdelay $0x1  }
0x136: {  	[tilespmem:$0x10690] =	vst v8  }
0x137: {  	_ =	swait.ge [sflag:s28], $0x4000  }
0x138: {  	s15 =	simm.s32 $0x0;
	s2 =	simm.s32 $0x10200;
	[sflag:s28] =	ssyncset.done $0x0  }
0x139: {  	s3 =	sand.u32 $0x70, s15;
	s0 =	sand.u32 $0x1C00, s15;
	[sflag:s28] =	ssyncadd.s32 $0xFFFFC000  }
0x13a: {  	s13 =	sor.u32 s3, s0;
	v8 =	vld [tilespmem:s2+$0x0]  }
0x13b: {  	v9 =	vld [tilespmem:s13+$0xA580]  }
0x13c: {  	v10 =	vld [tilespmem:s13+$0x8200]  }
0x13d: {  	v11 =	vld [tilespmem:s13+$0x8280]  }
0x13e: {  	v12 =	vld [tilespmem:s13+$0x8300]  }
0x13f: {  	v13 =	vld [tilespmem:s13+$0x8380]  }
0x140: {  	v14 =	vld [tilespmem:s13+$0x8400]  }
0x141: {  	v15 =	vld [tilespmem:s13+$0x8480]  }
0x142: {  	v17 =	vld [tilespmem:s13+$0x8500]  }
0x143: {  	v19 =	vld [tilespmem:s13+$0x8580]  }
0x144: {  	v20 =	vld [tilespmem:s13+$0xA200];
	v9 =	vmul.f32 v9, v8  }
0x145: {  	v21 =	vld [tilespmem:s13+$0xA280];
	v10 =	vmul.f32 v10, v8;
	v11 =	vmul.f32 v11, v8  }
0x146: {  	v24 =	vimm.f32 $0.0e+00;
	v12 =	vmul.f32 v12, v8;
	v13 =	vmul.f32 v13, v8  }
0x147: {  	v23 =	vimm.f32 $0.0e+00;
	v14 =	vmul.f32 v14, v8;
	v15 =	vmul.f32 v15, v8  }
0x148: {  	v18 =	vimm.f32 $0.0e+00;
	v22 =	vmul.f32 v17, v8;
	v19 =	vmul.f32 v19, v8  }
0x149: {  	v25 =	vld [tilespmem:s13+$0xA300];
	v30 =	vmul.f32 v20, v8;
	v9 =	vadd.f32 v9, v18;
	v10 =	vadd.f32 v10, v18  }
0x14a: {  	v26 =	vld [tilespmem:s13+$0xA380];
	v31 =	vmul.f32 v21, v8;
	v11 =	vadd.f32 v11, v18;
	v16 =	vadd.f32 v12, v18  }
0x14b: {  	v27 =	vld [tilespmem:s13+$0xA400];
	v21 =	vimm.f32 $0.0e+00;
	v17 =	vadd.f32 v13, v18;
	v12 =	vadd.f32 v14, v18  }
0x14c: {  	s16 =	simm.s32 $0x10;
	s0 =	simm.s32 $0x10210;
	v28 =	vld [tilespmem:s13+$0xA480];
	s2 =	simm.s32 $0x80;
	v20 =	vimm.f32 $0.0e+00;
	v13 =	vadd.f32 v15, v18;
	v14 =	vadd.f32 v22, v18  }
0x14d: {  	s3 =	simm.s32 $0x20;
	s14 =	sand.u32 $0x70, s16;
	v29 =	vld [tilespmem:s13+$0xA500];
	s15 =	sand.u32 $0x1C00, s2;
	v15 =	vadd.f32 v19, v18;
	v22 =	vimm.f32 $0.0e+00;
	v19 =	vimm.f32 $0.0e+00  }
.LBB2_6:
0x14e: {  	p0 =	sne.s32 s3, $0x3F0;
	v32 =	vld [tilespmem:s0+$0x0];
	s13 =	sor.u32 s14, s15;
	v18 =	vadd.f32 v30, v18;
	v25 =	vmul.f32 v25, v8  }
0x14f: {  	v30 =	vld [tilespmem:s13+$0xA580];
	v21 =	vadd.f32 v31, v21;
	v26 =	vmul.f32 v26, v8  }
0x150: {  	v31 =	vld [tilespmem:s13+$0x8200];
	v22 =	vadd.f32 v25, v22;
	v25 =	vmul.f32 v27, v8  }
0x151: {  	v27 =	vld [tilespmem:s13+$0x8280];
	v20 =	vadd.f32 v26, v20;
	v26 =	vmul.f32 v28, v8  }
0x152: {  	v28 =	vld [tilespmem:s13+$0x8300];
	v24 =	vadd.f32 v25, v24;
	v25 =	vmul.f32 v29, v8  }
0x153: {  	v29 =	vld [tilespmem:s13+$0x8380];
	v23 =	vadd.f32 v26, v23;
	v8 =	vmov v32  }
0x154: {  	v26 =	vld [tilespmem:s13+$0x8400];
	v30 =	vmul.f32 v30, v8;
	v19 =	vadd.f32 v25, v19  }
0x155: {  	v25 =	vmul.f32 v31, v8;
	v31 =	vld [tilespmem:s13+$0x8480]  }
0x156: {  	v27 =	vmul.f32 v27, v8;
	v32 =	vld [tilespmem:s13+$0x8500];
	v9 =	vadd.f32 v30, v9  }
0x157: {  	v10 =	vadd.f32 v25, v10;
	v25 =	vmul.f32 v28, v8;
	v28 =	vld [tilespmem:s13+$0x8580]  }
0x158: {  	v11 =	vadd.f32 v27, v11;
	v27 =	vmul.f32 v29, v8;
	v29 =	vld [tilespmem:s13+$0xA200]  }
0x159: {  	v16 =	vadd.f32 v25, v16;
	v26 =	vmul.f32 v26, v8;
	v33 =	vld [tilespmem:s13+$0xA280]  }
.Ltmp2:
0x15a: {  	v17 =	vadd.f32 v27, v17;
	v27 =	vmul.f32 v31, v8;
	v25 =	vld [tilespmem:s13+$0xA300];
	(pc) =	sbr.rel @p0 .LBB2_6-.Ltmp2, $4  }
0x15b: {  	v12 =	vadd.f32 v26, v12;
	v30 =	vmul.f32 v32, v8;
	v26 =	vld [tilespmem:s13+$0xA380]  }
0x15c: {  	v13 =	vadd.f32 v27, v13;
	v31 =	vmul.f32 v28, v8;
	v27 =	vld [tilespmem:s13+$0xA400]  }
0x15d: {  	s2 =	sadd.s32 $0x80, s2;
	s0 =	sadd.s32 $0x10, s0;
	v14 =	vadd.f32 v30, v14;
	v30 =	vmul.f32 v29, v8;
	v28 =	vld [tilespmem:s13+$0xA480]  }
0x15e: {  	s14 =	sand.u32 $0x70, s3;
	s3 =	sadd.s32 $0x10, s3;
	s15 =	sand.u32 $0x1C00, s2;
	v15 =	vadd.f32 v31, v15;
	v31 =	vmul.f32 v33, v8;
	v29 =	vld [tilespmem:s13+$0xA500]  }
0x15f: {  	v32 =	vld [tilespmem:s0+$0x0];
	s14 =	sor.u32 s14, s15  }
0x160: {  	v33 =	vld [tilespmem:s14+$0xA580]  }
0x161: {  	v34 =	vld [tilespmem:s14+$0x8200]  }
0x162: {  	v35 =	vld [tilespmem:s14+$0x8280]  }
0x163: {  	v36 =	vld [tilespmem:s14+$0x8300]  }
0x164: {  	v37 =	vld [tilespmem:s14+$0x8380]  }
0x165: {  	v38 =	vld [tilespmem:s14+$0x8400]  }
0x166: {  	v39 =	vld [tilespmem:s14+$0x8480]  }
0x167: {  	v25 =	vmul.f32 v25, v8;
	v40 =	vld [tilespmem:s14+$0x8500]  }
0x168: {  	v18 =	vadd.f32 v30, v18;
	v26 =	vmul.f32 v26, v8;
	v30 =	vld [tilespmem:s14+$0x8580];
	v27 =	vmul.f32 v27, v8  }
0x169: {  	v21 =	vadd.f32 v31, v21;
	v61 =	vld [tilespmem:s14+$0xA380];
	v22 =	vadd.f32 v25, v22;
	v25 =	vmul.f32 v28, v8  }
0x16a: {  	v63 =	vld [tilespmem:s14+$0xA500];
	v20 =	vadd.f32 v26, v20;
	v24 =	vadd.f32 v27, v24;
	v8 =	vmul.f32 v29, v8  }
0x16b: {  	v28 =	vld [tilespmem:s14+$0xA200];
	v23 =	vadd.f32 v25, v23;
	v25 =	vmul.f32 v33, v32;
	v27 =	vmul.f32 v34, v32  }
0x16c: {  	v26 =	vld [tilespmem:s14+$0xA280];
	v8 =	vadd.f32 v8, v19;
	v19 =	vmul.f32 v35, v32;
	v31 =	vmul.f32 v36, v32  }
0x16d: {  	v29 =	vld [tilespmem:s14+$0xA300];
	v62 =	vmul.f32 v40, v32;
	v9 =	vadd.f32 v25, v9;
	v25 =	vmul.f32 v37, v32  }
0x16e: {  	v10 =	vadd.f32 v27, v10;
	v27 =	vld [tilespmem:s14+$0xA400];
	v11 =	vadd.f32 v19, v11;
	v19 =	vmul.f32 v38, v32  }
0x16f: {  	v16 =	vadd.f32 v31, v16;
	v31 =	vld [tilespmem:s14+$0xA480];
	v17 =	vadd.f32 v25, v17;
	v25 =	vmul.f32 v39, v32  }
0x170: {  	v28 =	vmul.f32 v28, v32;
	v12 =	vadd.f32 v19, v12;
	v19 =	vmul.f32 v30, v32  }
0x171: {  	v14 =	vadd.f32 v62, v14;
	v13 =	vadd.f32 v25, v13;
	v25 =	vmul.f32 v26, v32  }
0x172: {  	v18 =	vadd.f32 v28, v18;
	v15 =	vadd.f32 v19, v15;
	v19 =	vmul.f32 v29, v32  }
0x173: {  	v26 =	vmul.f32 v27, v32;
	v21 =	vadd.f32 v25, v21;
	v25 =	vmul.f32 v61, v32  }
0x174: {  	v27 =	vmul.f32 v63, v32;
	v19 =	vadd.f32 v19, v22;
	v22 =	vmul.f32 v31, v32  }
0x175: {  	v24 =	vadd.f32 v26, v24;
	v20 =	vadd.f32 v25, v20;
	v25 =	vperm.xlane v10, v1  }
0x176: {  	v8 =	vadd.f32 v27, v8;
	v22 =	vadd.f32 v22, v23;
	v23 =	vperm.xlane v18, v1  }
0x177: {  	v26 =	vperm.xlane v21, v1;
	v10 =	vadd.f32 v25, v10;
	v25 =	vperm.xlane v11, v1  }
0x178: {  	v27 =	vperm.xlane v19, v1;
	v18 =	vadd.f32 v23, v18;
	v23 =	vperm.xlane v16, v1  }
0x179: {  	v21 =	vadd.f32 v26, v21;
	v11 =	vadd.f32 v25, v11  }
0x17a: {  	v10 =	vsel vm3, v10, v18;
	v16 =	vadd.f32 v23, v16;
	v18 =	vadd.f32 v27, v19  }
0x17b: {  	v19 =	vperm.xlane v17, v1;
	v11 =	vsel vm3, v11, v21;
	v21 =	vperm.xlane v20, v1  }
0x17c: {  	v23 =	vperm.xlane v24, v1;
	v16 =	vsel vm3, v16, v18;
	v18 =	vperm.xlane v12, v1  }
0x17d: {  	v17 =	vadd.f32 v19, v17;
	v19 =	vadd.f32 v21, v20;
	v20 =	vperm.xlane v13, v1  }
0x17e: {  	v12 =	vadd.f32 v18, v12;
	v18 =	vadd.f32 v23, v24;
	v21 =	vperm.xlane v22, v1  }
0x17f: {  	v23 =	vperm.xlane v8, v1;
	v24 =	vperm.xlane v9, v1;
	v13 =	vadd.f32 v20, v13  }
0x180: {  	v20 =	vperm.xlane v14, v1;
	v21 =	vadd.f32 v21, v22;
	v22 =	vperm.xlane v15, v1  }
0x181: {  	v17 =	vsel vm3, v17, v19;
	v8 =	vadd.f32 v23, v8;
	v12 =	vsel vm3, v12, v18  }
0x182: {  	v9 =	vadd.f32 v24, v9;
	v18 =	vperm.xlane v10, v4;
	v14 =	vadd.f32 v20, v14  }
0x183: {  	v19 =	vperm.xlane v12, v4;
	v15 =	vadd.f32 v22, v15;
	v13 =	vsel vm3, v13, v21  }
0x184: {  	v10 =	vadd.f32 v18, v10;
	v8 =	vsel vm3, v14, v8;
	v14 =	vperm.xlane v11, v4  }
0x185: {  	v12 =	vadd.f32 v19, v12;
	v9 =	vsel vm3, v15, v9;
	v15 =	vperm.xlane v13, v4  }
0x186: {  	v18 =	vperm.xlane v8, v4;
	v19 =	vperm.xlane v9, v4;
	v11 =	vadd.f32 v14, v11  }
0x187: {  	v14 =	vperm.xlane v16, v4;
	v13 =	vadd.f32 v15, v13;
	v15 =	vperm.xlane v17, v4  }
0x188: {  	v8 =	vadd.f32 v18, v8;
	v9 =	vadd.f32 v19, v9  }
0x189: {  	v10 =	vsel vm1, v10, v12;
	v14 =	vadd.f32 v14, v16;
	v15 =	vadd.f32 v15, v17  }
0x18a: {  	v12 =	vperm.xlane v10, v5;
	v11 =	vsel vm1, v11, v13  }
0x18b: {  	v8 =	vsel vm1, v14, v8;
	v9 =	vsel vm1, v15, v9;
	v14 =	vperm.xlane v11, v5  }
0x18c: {  	v13 =	vperm.xlane v8, v5;
	v15 =	vperm.xlane v9, v5  }
0x18d: {  	v10 =	vadd.f32 v12, v10;
	v11 =	vadd.f32 v14, v11  }
0x18e: {  	v8 =	vadd.f32 v13, v8;
	v9 =	vadd.f32 v15, v9;
	_ =	sdelay $0x1  }
0x18f: {  	v8 =	vsel vm2, v10, v8;
	v9 =	vsel vm2, v11, v9  }
0x190: {  	v10 =	vperm.xlane v8, v6;
	v11 =	vperm.xlane v9, v6;
	_ =	sdelay $0x1  }
0x191: {  	v8 =	vadd.f32 v10, v8;
	v9 =	vadd.f32 v11, v9;
	_ =	sdelay $0x1  }
0x192: {  	v8 =	vsel vm4, v8, v9  }
0x193: {  	v8 =	vadd.f32 v8, v7;
	_ =	sdelay $0x1  }
0x194: {  	[tilespmem:$0x106A0] =	vst v8  }
0x195: {  	_ =	swait.ge [sflag:s29], $0x4000  }
0x196: {  	s15 =	simm.s32 $0x0;
	s2 =	simm.s32 $0x10200;
	[sflag:s29] =	ssyncset.done $0x0  }
0x197: {  	s3 =	sand.u32 $0x70, s15;
	s0 =	sand.u32 $0x1C00, s15;
	[sflag:s29] =	ssyncadd.s32 $0xFFFFC000  }
0x198: {  	s13 =	sor.u32 s3, s0;
	v8 =	vld [tilespmem:s2+$0x0]  }
0x199: {  	v9 =	vld [tilespmem:s13+$0xE580]  }
0x19a: {  	v10 =	vld [tilespmem:s13+$0xC200]  }
0x19b: {  	v11 =	vld [tilespmem:s13+$0xC280]  }
0x19c: {  	v12 =	vld [tilespmem:s13+$0xC300]  }
0x19d: {  	v13 =	vld [tilespmem:s13+$0xC380]  }
0x19e: {  	v14 =	vld [tilespmem:s13+$0xC400]  }
0x19f: {  	v15 =	vld [tilespmem:s13+$0xC480]  }
0x1a0: {  	v17 =	vld [tilespmem:s13+$0xC500]  }
0x1a1: {  	v19 =	vld [tilespmem:s13+$0xC580]  }
0x1a2: {  	v20 =	vld [tilespmem:s13+$0xE200];
	v9 =	vmul.f32 v9, v8  }
0x1a3: {  	v21 =	vld [tilespmem:s13+$0xE280];
	v10 =	vmul.f32 v10, v8;
	v11 =	vmul.f32 v11, v8  }
0x1a4: {  	v24 =	vimm.f32 $0.0e+00;
	v12 =	vmul.f32 v12, v8;
	v13 =	vmul.f32 v13, v8  }
0x1a5: {  	v23 =	vimm.f32 $0.0e+00;
	v14 =	vmul.f32 v14, v8;
	v15 =	vmul.f32 v15, v8  }
0x1a6: {  	v18 =	vimm.f32 $0.0e+00;
	v22 =	vmul.f32 v17, v8;
	v19 =	vmul.f32 v19, v8  }
0x1a7: {  	v25 =	vld [tilespmem:s13+$0xE300];
	v30 =	vmul.f32 v20, v8;
	v9 =	vadd.f32 v9, v18;
	v10 =	vadd.f32 v10, v18  }
0x1a8: {  	v26 =	vld [tilespmem:s13+$0xE380];
	v31 =	vmul.f32 v21, v8;
	v11 =	vadd.f32 v11, v18;
	v16 =	vadd.f32 v12, v18  }
0x1a9: {  	v27 =	vld [tilespmem:s13+$0xE400];
	v21 =	vimm.f32 $0.0e+00;
	v17 =	vadd.f32 v13, v18;
	v12 =	vadd.f32 v14, v18  }
0x1aa: {  	s16 =	simm.s32 $0x10;
	s0 =	simm.s32 $0x10210;
	v28 =	vld [tilespmem:s13+$0xE480];
	s2 =	simm.s32 $0x80;
	v20 =	vimm.f32 $0.0e+00;
	v13 =	vadd.f32 v15, v18;
	v14 =	vadd.f32 v22, v18  }
0x1ab: {  	s3 =	simm.s32 $0x20;
	s14 =	sand.u32 $0x70, s16;
	v29 =	vld [tilespmem:s13+$0xE500];
	s15 =	sand.u32 $0x1C00, s2;
	v15 =	vadd.f32 v19, v18;
	v22 =	vimm.f32 $0.0e+00;
	v19 =	vimm.f32 $0.0e+00  }
.LBB2_8:
0x1ac: {  	p0 =	sne.s32 s3, $0x3F0;
	v32 =	vld [tilespmem:s0+$0x0];
	s13 =	sor.u32 s14, s15;
	v18 =	vadd.f32 v30, v18;
	v25 =	vmul.f32 v25, v8  }
0x1ad: {  	v30 =	vld [tilespmem:s13+$0xE580];
	v21 =	vadd.f32 v31, v21;
	v26 =	vmul.f32 v26, v8  }
0x1ae: {  	v31 =	vld [tilespmem:s13+$0xC200];
	v22 =	vadd.f32 v25, v22;
	v25 =	vmul.f32 v27, v8  }
0x1af: {  	v27 =	vld [tilespmem:s13+$0xC280];
	v20 =	vadd.f32 v26, v20;
	v26 =	vmul.f32 v28, v8  }
0x1b0: {  	v28 =	vld [tilespmem:s13+$0xC300];
	v24 =	vadd.f32 v25, v24;
	v25 =	vmul.f32 v29, v8  }
0x1b1: {  	v29 =	vld [tilespmem:s13+$0xC380];
	v23 =	vadd.f32 v26, v23;
	v8 =	vmov v32  }
0x1b2: {  	v26 =	vld [tilespmem:s13+$0xC400];
	v30 =	vmul.f32 v30, v8;
	v19 =	vadd.f32 v25, v19  }
0x1b3: {  	v25 =	vmul.f32 v31, v8;
	v31 =	vld [tilespmem:s13+$0xC480]  }
0x1b4: {  	v27 =	vmul.f32 v27, v8;
	v32 =	vld [tilespmem:s13+$0xC500];
	v9 =	vadd.f32 v30, v9  }
0x1b5: {  	v10 =	vadd.f32 v25, v10;
	v25 =	vmul.f32 v28, v8;
	v28 =	vld [tilespmem:s13+$0xC580]  }
0x1b6: {  	v11 =	vadd.f32 v27, v11;
	v27 =	vmul.f32 v29, v8;
	v29 =	vld [tilespmem:s13+$0xE200]  }
0x1b7: {  	v16 =	vadd.f32 v25, v16;
	v26 =	vmul.f32 v26, v8;
	v33 =	vld [tilespmem:s13+$0xE280]  }
.Ltmp3:
0x1b8: {  	v17 =	vadd.f32 v27, v17;
	v27 =	vmul.f32 v31, v8;
	v25 =	vld [tilespmem:s13+$0xE300];
	(pc) =	sbr.rel @p0 .LBB2_8-.Ltmp3, $4  }
0x1b9: {  	v12 =	vadd.f32 v26, v12;
	v30 =	vmul.f32 v32, v8;
	v26 =	vld [tilespmem:s13+$0xE380]  }
0x1ba: {  	v13 =	vadd.f32 v27, v13;
	v31 =	vmul.f32 v28, v8;
	v27 =	vld [tilespmem:s13+$0xE400]  }
0x1bb: {  	s2 =	sadd.s32 $0x80, s2;
	s0 =	sadd.s32 $0x10, s0;
	v14 =	vadd.f32 v30, v14;
	v30 =	vmul.f32 v29, v8;
	v28 =	vld [tilespmem:s13+$0xE480]  }
0x1bc: {  	s14 =	sand.u32 $0x70, s3;
	s3 =	sadd.s32 $0x10, s3;
	s15 =	sand.u32 $0x1C00, s2;
	v15 =	vadd.f32 v31, v15;
	v31 =	vmul.f32 v33, v8;
	v29 =	vld [tilespmem:s13+$0xE500]  }
0x1bd: {  	v32 =	vld [tilespmem:s0+$0x0];
	s16 =	sor.u32 s14, s15  }
0x1be: {  	v33 =	vld [tilespmem:s16+$0xE580]  }
0x1bf: {  	v34 =	vld [tilespmem:s16+$0xC200]  }
0x1c0: {  	v35 =	vld [tilespmem:s16+$0xC280]  }
0x1c1: {  	v36 =	vld [tilespmem:s16+$0xC300]  }
0x1c2: {  	v37 =	vld [tilespmem:s16+$0xC380]  }
0x1c3: {  	v38 =	vld [tilespmem:s16+$0xC400]  }
0x1c4: {  	v39 =	vld [tilespmem:s16+$0xC480]  }
0x1c5: {  	v25 =	vmul.f32 v25, v8;
	v40 =	vld [tilespmem:s16+$0xC500]  }
0x1c6: {  	v18 =	vadd.f32 v30, v18;
	v26 =	vmul.f32 v26, v8;
	v43 =	vld [tilespmem:s16+$0xC580];
	v27 =	vmul.f32 v27, v8  }
0x1c7: {  	v21 =	vadd.f32 v31, v21;
	v45 =	vld [tilespmem:s16+$0xE200];
	v44 =	vmul.f32 v28, v8;
	v8 =	vmul.f32 v29, v8  }
0x1c8: {  	v46 =	vld [tilespmem:s16+$0xE280];
	v22 =	vadd.f32 v25, v22;
	v47 =	vmul.f32 v33, v32;
	v48 =	vmul.f32 v34, v32  }
0x1c9: {  	v49 =	vld [tilespmem:s16+$0xE300];
	v20 =	vadd.f32 v26, v20;
	v50 =	vmul.f32 v35, v32;
	v51 =	vmul.f32 v36, v32  }
0x1ca: {  	v52 =	vld [tilespmem:s16+$0xE380];
	v24 =	vadd.f32 v27, v24;
	v53 =	vmul.f32 v37, v32;
	v55 =	vmul.f32 v38, v32  }
0x1cb: {  	v54 =	vld [tilespmem:s16+$0xE400];
	v23 =	vadd.f32 v44, v23;
	v57 =	vmul.f32 v39, v32;
	v58 =	vmul.f32 v40, v32  }
0x1cc: {  	v56 =	vld [tilespmem:s16+$0xE480];
	v8 =	vadd.f32 v8, v19;
	v60 =	vmul.f32 v43, v32;
	v28 =	vmul.f32 v45, v32  }
0x1cd: {  	v59 =	vld [tilespmem:s16+$0xE500];
	v61 =	vmul.f32 v46, v32;
	v9 =	vadd.f32 v47, v9;
	v10 =	vadd.f32 v48, v10  }
0x1ce: {  	v62 =	vmul.f32 v49, v32;
	v11 =	vadd.f32 v50, v11;
	v16 =	vadd.f32 v51, v16  }
0x1cf: {  	v63 =	vmul.f32 v52, v32;
	v17 =	vadd.f32 v53, v17;
	v12 =	vadd.f32 v55, v12  }
0x1d0: {  	v30 =	vmul.f32 v54, v32;
	v13 =	vadd.f32 v57, v13;
	v14 =	vadd.f32 v58, v14  }
0x1d1: {  	v33 =	vmul.f32 v56, v32;
	v15 =	vadd.f32 v60, v15;
	v18 =	vadd.f32 v28, v18  }
0x1d2: {  	v34 =	vmul.f32 v59, v32;
	v21 =	vadd.f32 v61, v21;
	v19 =	vadd.f32 v62, v22  }
0x1d3: {  	v20 =	vadd.f32 v63, v20;
	v35 =	vperm.xlane v10, v1;
	v36 =	vperm.xlane v18, v1  }
0x1d4: {  	v24 =	vadd.f32 v30, v24;
	v37 =	vperm.xlane v11, v1;
	v38 =	vperm.xlane v21, v1  }
0x1d5: {  	v22 =	vadd.f32 v33, v23;
	v39 =	vperm.xlane v16, v1;
	v40 =	vperm.xlane v19, v1  }
0x1d6: {  	v8 =	vadd.f32 v34, v8;
	v42 =	vperm.xlane v17, v1;
	v43 =	vperm.xlane v20, v1  }
0x1d7: {  	v44 =	vperm.xlane v12, v1;
	v45 =	vperm.xlane v24, v1;
	v10 =	vadd.f32 v35, v10  }
0x1d8: {  	v47 =	vperm.xlane v13, v1;
	v18 =	vadd.f32 v36, v18;
	v11 =	vadd.f32 v37, v11  }
0x1d9: {  	v50 =	vperm.xlane v14, v1;
	v21 =	vadd.f32 v38, v21;
	v16 =	vadd.f32 v39, v16  }
0x1da: {  	v51 =	vperm.xlane v8, v1;
	v41 =	vadd.f32 v40, v19;
	v17 =	vadd.f32 v42, v17  }
0x1db: {  	v52 =	vperm.xlane v15, v1;
	v46 =	vadd.f32 v43, v20;
	v12 =	vadd.f32 v44, v12  }
0x1dc: {  	v53 =	vperm.xlane v9, v1;
	v48 =	vadd.f32 v45, v24;
	v13 =	vadd.f32 v47, v13  }
0x1dd: {  	v49 =	vperm.xlane v22, v1;
	v14 =	vadd.f32 v50, v14;
	v8 =	vadd.f32 v51, v8  }
0x1de: {  	v15 =	vadd.f32 v52, v15;
	v9 =	vadd.f32 v53, v9;
	v10 =	vsel vm3, v10, v18  }
0x1df: {  	v11 =	vsel vm3, v11, v21;
	v16 =	vsel vm3, v16, v41;
	v21 =	vadd.f32 v49, v22  }
0x1e0: {  	v17 =	vsel vm3, v17, v46;
	v12 =	vsel vm3, v12, v48;
	v54 =	vperm.xlane v10, v4  }
0x1e1: {  	v8 =	vsel vm3, v14, v8;
	v55 =	vperm.xlane v12, v4;
	v56 =	vperm.xlane v11, v4  }
0x1e2: {  	v9 =	vsel vm3, v15, v9;
	v58 =	vperm.xlane v16, v4;
	v59 =	vperm.xlane v8, v4  }
0x1e3: {  	v60 =	vperm.xlane v17, v4;
	v61 =	vperm.xlane v9, v4  }
0x1e4: {  	v13 =	vsel vm3, v13, v21;
	v10 =	vadd.f32 v54, v10;
	v12 =	vadd.f32 v55, v12  }
0x1e5: {  	v57 =	vperm.xlane v13, v4;
	v14 =	vadd.f32 v58, v16;
	v8 =	vadd.f32 v59, v8  }
0x1e6: {  	v15 =	vadd.f32 v60, v17;
	v9 =	vadd.f32 v61, v9  }
0x1e7: {  	v11 =	vadd.f32 v56, v11;
	v13 =	vadd.f32 v57, v13  }
0x1e8: {  	v10 =	vsel vm1, v10, v12;
	v8 =	vsel vm1, v14, v8;
	v9 =	vsel vm1, v15, v9  }
0x1e9: {  	v12 =	vperm.xlane v10, v5;
	v62 =	vperm.xlane v8, v5;
	v11 =	vsel vm1, v11, v13  }
0x1ea: {  	v15 =	vperm.xlane v9, v5;
	v63 =	vperm.xlane v11, v5  }
0x1eb: {  	v10 =	vadd.f32 v12, v10;
	v8 =	vadd.f32 v62, v8  }
0x1ec: {  	v9 =	vadd.f32 v15, v9;
	v11 =	vadd.f32 v63, v11;
	_ =	sdelay $0x1  }
0x1ed: {  	v8 =	vsel vm2, v10, v8;
	v9 =	vsel vm2, v11, v9  }
0x1ee: {  	v10 =	vperm.xlane v8, v6;
	v11 =	vperm.xlane v9, v6;
	_ =	sdelay $0x1  }
0x1ef: {  	v8 =	vadd.f32 v10, v8;
	v9 =	vadd.f32 v11, v9;
	_ =	sdelay $0x1  }
0x1f0: {  	v8 =	vsel vm4, v8, v9  }
0x1f1: {  	s31 =	sadd.s32 $0x1, s31;
	v7 =	vadd.f32 v8, v7  }
0x1f2: {  	p0 =	sne.s32 s31, s11  }
.Ltmp4:
0x1f3: {  	[tilespmem:$0x106B0] =	vst v7;
	(pc) =	sbr.rel @p0 .LBB2_1-.Ltmp4, $4  }
0x1f4: {  	[hbm4b:s10+s4] =	stream.linear.scatter [tilespmem:s30], [sflag:$0x5], $0x40, $0x38;
	[tilespmem:$0x10700] =	vst v63  }
0x1f5: {  	_ =	swait.ge [sflag:s12], $0x40  }
0x1f6: {  	[sflag:s12] =	ssyncset.done $0x0  }
0x1f7: {  	[sflag:s12] =	ssyncadd.s32 $0xFFFFFFC0  }
0x1f8: {  	_ =	sfence.sel $0x180000  }
0x1f9: {  	[bflag:$0x0] =	sbarrier.arrive $0xFFFF  }
0x1fa: {  	_ =	strace $0x90000047  }
0x1fb: {  	s0 =	stileid.u32;
	[bflag:$0x2] =	sbarrier.arrive $0xFFFF  }
0x1fc: {  	p0 =	sne.s32 s0, $0x0;
	s0 =	rddreg [dreg:$0x3]  }
0x1fd: {  	s0 =	sadd.s32 @!p0 $0x100000, s0  }
0x1fe: {  	[sflag:s0] =	ssyncadd.tile.s32 @!p0 $0x1;
	_ =	shalt  }
.Lfunc_end2:
_tile_overlayer_lowered:
.L_overlay_start_2:
0x1ff: {  	(tag) =	ssettag $0x2  }
0x200: {  	s0 =	rddreg [dreg:$0x0];
	s2 =	stileid.u32  }
0x201: {  	s1 =	rddreg [dreg:$0x1];
	p0 =	sne.s32 s2, $0x0  }
0x202: {  	s3 =	rddreg [dreg:$0x2];
	[bflag:$0x3] =	sbarrier.arrive $0xFFFF;
	s2 =	simm.s32 @!p0 $0x1C05  }
0x203: {  	[timem:s3], [sflag:s2] =	dma.local @!p0 [hbm:s0], s1  }
0x204: {  	s0 =	simm.s32 @!p0 $0x5  }
0x205: {  	_ =	swait.ge @!p0 [sflag:s0], s1  }
0x206: {  	s1 =	ssub.s32 @!p0 $0x0, s1;
	[sflag:s0] =	ssyncset.done @!p0 $0x0  }
0x207: {  	[sflag:s0] =	ssyncadd.s32 @!p0 s1  }
0x208: {  	[bflag:$0x3] =	sbarrier.arrive $0xFFFF  }
0x209: {  	_ =	shalt  }

</sc_bundles>
